<compile_context>
chip_gen: v7x
topology: tpu7x:2x2x1
jax: 0.10.2.dev20260603
libtpu: 0.0.44.dev20260713+nightly
codegen_flags: <defaults>
</compile_context>

<pallas_src>
import functools

import jax
import jax.numpy as jnp
from jax import lax
from jax.experimental import pallas as pl
from jax.experimental.pallas import tpu as pltpu
from jax.experimental.pallas import tpu_sc as plsc

E = 1_600_000
NC = 2
NS = 16
L = 16
NW = NC * NS
BLK = 128
NBLK = E // BLK
W_BLKS = NBLK // NW
W_EXTRA = NBLK - W_BLKS * NW
NB = 130
CHUNKS = W_BLKS // NB
C = NB * BLK

_f32 = jnp.float32


def _body(alpha_hbm, psi_hbm,
          a0, a1, s0, s1, ones_buf,
          in_sem0, in_sem1, out_sem0, out_sem1, ones_sem):
    wid = lax.axis_index("s") * NC + lax.axis_index("c")
    base_blk = wid * W_BLKS + jnp.minimum(wid, W_EXTRA)
    ones_f = jnp.ones((L,), _f32)

    a_bufs = (a0, a1)
    s_bufs = (s0, s1)
    in_sems = (in_sem0, in_sem1)
    out_sems = (out_sem0, out_sem1)

    def fill_ones(i):
        j = i // (BLK // L)
        k = (i % (BLK // L)) * L
        ones_buf[j, pl.ds(k, L)] = ones_f

    plsc.parallel_loop(0, NB * (BLK // L), 1, unroll=8)(fill_ones)

    def in_copy(blk, slot, nb):
        return pltpu.async_copy(
            alpha_hbm.at[pl.ds(blk * BLK, nb * BLK)],
            a_bufs[slot].at[pl.ds(0, nb * BLK)], in_sems[slot])

    def out_copies(blk, slot, nb):
        sem = out_sems[slot]
        s_src = s_bufs[slot].at[pl.ds(0, nb)]
        return (
            pltpu.async_copy(s_src, psi_hbm.at[0, pl.ds(blk, nb), 0], sem),
            pltpu.async_copy(s_src, psi_hbm.at[1, pl.ds(blk, nb), 1], sem),
        )

    def ones_copies(blk, nb):
        o_src = ones_buf.at[pl.ds(0, nb)]
        return (
            pltpu.async_copy(o_src, psi_hbm.at[0, pl.ds(blk, nb), 1],
                             ones_sem),
            pltpu.async_copy(o_src, psi_hbm.at[1, pl.ds(blk, nb), 0],
                             ones_sem),
        )

    def compute(slot, nb):
        a_buf, s_buf = a_bufs[slot], s_bufs[slot]

        def group(g):
            a = a_buf[pl.ds(g * L, L)]
            j = g // (BLK // L)
            k = (g % (BLK // L)) * L
            s_buf[j, pl.ds(k, L)] = jnp.exp(2.0 * a)

        plsc.parallel_loop(0, nb * (BLK // L), 1, unroll=8)(group)

    has_tail = wid < W_EXTRA
    tail_blk = base_blk + W_BLKS

    handles_in = [None, None]
    handles_out = [None, None]
    handles_ones = []
    handles_in[0] = in_copy(base_blk, 0, NB)
    for ci in range(CHUNKS):
        slot = ci % 2
        if ci + 1 < CHUNKS:
            handles_in[1 - slot] = in_copy(base_blk + (ci + 1) * NB,
                                           1 - slot, NB)
        handles_ones.extend(ones_copies(base_blk + ci * NB, NB))
        handles_in[slot].wait()
        if handles_out[slot] is not None:
            for h in handles_out[slot]:
                h.wait()
        compute(slot, NB)
        handles_out[slot] = out_copies(base_blk + ci * NB, slot, NB)
    for hs in handles_out:
        if hs is not None:
            for h in hs:
                h.wait()
    for h in handles_ones:
        h.wait()

    @pl.when(has_tail)
    def _tail():
        in_copy(tail_blk, 0, 1).wait()
        compute(0, 1)
        for h in ones_copies(tail_blk, 1):
            h.wait()
        for h in out_copies(tail_blk, 0, 1):
            h.wait()


@functools.cache
def _build():
    mesh = plsc.VectorSubcoreMesh(
        core_axis_name="c", subcore_axis_name="s",
        num_cores=NC, num_subcores=NS)
    return pl.kernel(
        _body,
        out_type=jax.ShapeDtypeStruct((2, NBLK, 2, BLK), _f32),
        mesh=mesh,
        compiler_params=pltpu.CompilerParams(
            needs_layout_passes=False, use_tc_tiling_on_sc=False),
        scratch_types=[
            pltpu.VMEM((C,), _f32), pltpu.VMEM((C,), _f32),
            pltpu.VMEM((NB, BLK), _f32), pltpu.VMEM((NB, BLK), _f32),
            pltpu.VMEM((NB, BLK), _f32),
            pltpu.SemaphoreType.DMA, pltpu.SemaphoreType.DMA,
            pltpu.SemaphoreType.DMA, pltpu.SemaphoreType.DMA,
            pltpu.SemaphoreType.DMA,
        ],
    )


_SIG_BS = 204_800


def _sig_body(a_ref, p_ref):
    p_ref[...] = jax.nn.sigmoid(2.0 * a_ref[...])


@functools.cache
def _build_sig():
    return pl.pallas_call(
        _sig_body,
        grid=(pl.cdiv(E, _SIG_BS),),
        in_specs=[pl.BlockSpec((_SIG_BS,), lambda i: (i,))],
        out_specs=pl.BlockSpec((_SIG_BS,), lambda i: (i,)),
        out_shape=jax.ShapeDtypeStruct((E,), _f32),
    )


def kernel(alpha_ij):
    psi4 = _build()(alpha_ij)
    p_same = _build_sig()(alpha_ij)
    psi = jnp.transpose(psi4, (1, 3, 0, 2)).reshape(E, 2, 2)
    return psi, p_same

# --- scband reference (transcript-rebuilt; emitter-appended) ---
"""Pipeline reference for scband-potts-edge-potentials-and-loss-46883863003179 (READ-ONLY COPY).

The authoritative reference and input builder live on the scoring server;
editing this copy changes nothing except your own understanding.
"""

import jax, jax.numpy as jnp
import numpy as np

BETA = 2.0
E = 1600000

def setup_inputs(seed: int = 0) -> dict:
    key = jax.random.key(seed)
    alpha_ij = jax.random.normal(key, (E,), dtype=jnp.float32)
    return {"alpha_ij": alpha_ij}

def reference(alpha_ij):
    P_same = jax.nn.sigmoid(BETA * alpha_ij)
    same = jnp.exp(BETA * alpha_ij)
    n_edges = alpha_ij.shape[0]
    psi = jnp.ones((n_edges, 2, 2), dtype=alpha_ij.dtype)
    psi = psi.at[:, 0, 0].set(same)
    psi = psi.at[:, 1, 1].set(same)
    return (psi, P_same)

if __name__ == "__main__":
    import jax
    _d = setup_inputs()
    print(jax.jit(kernel)(*tuple(_d.values())))

</pallas_src>

<mosaic_0001>
#map = affine_map<(d0, d1) -> (0)>
#map1 = affine_map<(d0, d1) -> (0, 0, 0, 0)>
module attributes {stable_mosaic.version = 14 : i64} {
  func.func @_body(%arg0: i32, %arg1: i32, %arg2: memref<1600000xf32, #tpu.memory_space<hbm>>, %arg3: memref<2x12500x2x128xf32, #tpu.memory_space<hbm>>, %arg4: memref<16640xf32, #tpu.memory_space<vmem>>, %arg5: memref<16640xf32, #tpu.memory_space<vmem>>, %arg6: memref<130x128xf32, #tpu.memory_space<vmem>>, %arg7: memref<130x128xf32, #tpu.memory_space<vmem>>, %arg8: memref<130x128xf32, #tpu.memory_space<vmem>>, %arg9: memref<!tpu.dma_semaphore, #tpu.memory_space<semaphore_mem>>, %arg10: memref<!tpu.dma_semaphore, #tpu.memory_space<semaphore_mem>>, %arg11: memref<!tpu.dma_semaphore, #tpu.memory_space<semaphore_mem>>, %arg12: memref<!tpu.dma_semaphore, #tpu.memory_space<semaphore_mem>>, %arg13: memref<!tpu.dma_semaphore, #tpu.memory_space<semaphore_mem>>) attributes {dimension_semantics = [#tpu.dimension_semantics<core_parallel>, #tpu.dimension_semantics<subcore_parallel>], iteration_bounds = array<i64: 2, 16>, scalar_prefetch = 0 : i64, scratch_operands = 10 : i64, tpu.core_type = #tpu.core_type<sc_vector_subcore>, window_params = [{transform_indices = #map}, {transform_indices = #map1}]} {
    %mul3A = arith.constant 2 : i32
    %mul3A_0 = arith.muli %arg1, %mul3A : i32
    %add3A = arith.addi %mul3A_0, %arg0 : i32
    %mul3A_1 = arith.constant 390 : i32
    %mul3A_2 = arith.muli %add3A, %mul3A_1 : i32
    %min3A = arith.constant 20 : i32
    %min3A_3 = arith.minsi %add3A, %min3A : i32
    %add3A_4 = arith.addi %mul3A_2, %min3A_3 : i32
    %broadcast_in_dim3A = arith.constant 1.000000e+00 : f32
    %broadcast_in_dim3A_5 = vector.broadcast %broadcast_in_dim3A : f32 to vector<16xf32>
    %parallel_loop3A = arith.constant 0 : i32
    %parallel_loop3A_6 = arith.constant 1040 : i32
    %parallel_loop3A_7 = arith.constant 1 : i32
    scf.for %parallel_loop3A_413 = %parallel_loop3A to %parallel_loop3A_6 step %parallel_loop3A_7  : i32 {
      %parallel_loop3A_414 = arith.constant 8 : i32
      %parallel_loop3A_415 = arith.divsi %parallel_loop3A_413, %parallel_loop3A_414 : i32
      %parallel_loop3A_416 = arith.constant 0 : i32
      %parallel_loop3A_417 = arith.cmpi sgt, %parallel_loop3A_413, %parallel_loop3A_416 : i32
      %parallel_loop3A_418 = arith.extui %parallel_loop3A_417 : i1 to i32
      %parallel_loop3A_419 = arith.constant 0 : i32
      %parallel_loop3A_420 = arith.cmpi slt, %parallel_loop3A_413, %parallel_loop3A_419 : i32
      %parallel_loop3A_421 = arith.extui %parallel_loop3A_420 : i1 to i32
      %parallel_loop3A_422 = arith.subi %parallel_loop3A_418, %parallel_loop3A_421 : i32
      %parallel_loop3A_423 = arith.constant 0 : i32
      %parallel_loop3A_424 = arith.cmpi sgt, %parallel_loop3A_414, %parallel_loop3A_423 : i32
      %parallel_loop3A_425 = arith.extui %parallel_loop3A_424 : i1 to i32
      %parallel_loop3A_426 = arith.constant 0 : i32
      %parallel_loop3A_427 = arith.cmpi slt, %parallel_loop3A_414, %parallel_loop3A_426 : i32
      %parallel_loop3A_428 = arith.extui %parallel_loop3A_427 : i1 to i32
      %parallel_loop3A_429 = arith.subi %parallel_loop3A_425, %parallel_loop3A_428 : i32
      %parallel_loop3A_430 = arith.cmpi ne, %parallel_loop3A_422, %parallel_loop3A_429 : i32
      %parallel_loop3A_431 = arith.remsi %parallel_loop3A_413, %parallel_loop3A_414 : i32
      %parallel_loop3A_432 = arith.constant 0 : i32
      %parallel_loop3A_433 = arith.cmpi ne, %parallel_loop3A_431, %parallel_loop3A_432 : i32
      %parallel_loop3A_434 = arith.andi %parallel_loop3A_430, %parallel_loop3A_433 : i1
      %parallel_loop3A_435 = arith.constant 1 : i32
      %parallel_loop3A_436 = arith.subi %parallel_loop3A_415, %parallel_loop3A_435 : i32
      %parallel_loop3A_437 = arith.select %parallel_loop3A_434, %parallel_loop3A_436, %parallel_loop3A_415 : i32
      %parallel_loop3A_438 = arith.constant 8 : i32
      %parallel_loop3A_439 = arith.constant 0 : i32
      %parallel_loop3A_440 = arith.cmpi eq, %parallel_loop3A_438, %parallel_loop3A_439 : i32
      %parallel_loop3A_441 = arith.constant 1 : i32
      %parallel_loop3A_442 = arith.select %parallel_loop3A_440, %parallel_loop3A_441, %parallel_loop3A_438 : i32
      %parallel_loop3A_443 = arith.remsi %parallel_loop3A_413, %parallel_loop3A_442 : i32
      %parallel_loop3A_444 = arith.constant 0 : i32
      %parallel_loop3A_445 = arith.cmpi ne, %parallel_loop3A_443, %parallel_loop3A_444 : i32
      %parallel_loop3A_446 = arith.constant 0 : i32
      %parallel_loop3A_447 = arith.cmpi slt, %parallel_loop3A_443, %parallel_loop3A_446 : i32
      %parallel_loop3A_448 = arith.constant 0 : i32
      %parallel_loop3A_449 = arith.cmpi slt, %parallel_loop3A_442, %parallel_loop3A_448 : i32
      %parallel_loop3A_450 = arith.xori %parallel_loop3A_447, %parallel_loop3A_449 : i1
      %parallel_loop3A_451 = arith.andi %parallel_loop3A_450, %parallel_loop3A_445 : i1
      %parallel_loop3A_452 = arith.addi %parallel_loop3A_443, %parallel_loop3A_442 : i32
      %parallel_loop3A_453 = arith.select %parallel_loop3A_451, %parallel_loop3A_452, %parallel_loop3A_443 : i32
      %parallel_loop3A_454 = arith.constant 16 : i32
      %parallel_loop3A_455 = arith.muli %parallel_loop3A_453, %parallel_loop3A_454 : i32
      %parallel_loop3A_456 = arith.index_cast %parallel_loop3A_437 : i32 to index
      %parallel_loop3A_457 = arith.index_cast %parallel_loop3A_455 : i32 to index
      %parallel_loop3A_458 = tpu.vector_load %arg8[%parallel_loop3A_456, %parallel_loop3A_457] {strides = array<i32>} : memref<130x128xf32, #tpu.memory_space<vmem>>, vector<16xf32>,
      tpu.vector_store %arg8[%parallel_loop3A_456, %parallel_loop3A_457], %broadcast_in_dim3A_5 {strides = array<i32>} : memref<130x128xf32, #tpu.memory_space<vmem>>, vector<16xf32>,
    } {sc.loop_unroll_factor = 8 : i64, sc.parallel_access}
    %lt3A = arith.constant 20 : i32
    %lt3A_8 = arith.cmpi slt, %add3A, %lt3A : i32
    %add3A_9 = arith.constant 390 : i32
    %add3A_10 = arith.addi %add3A_4, %add3A_9 : i32
    %mul3A_11 = arith.constant 128 : i32
    %mul3A_12 = arith.muli %add3A_4, %mul3A_11 : i32
    %dma_start3A = arith.constant 0 : i32
    %dma_start3A_13 = tpu.memref_slice %arg4[%dma_start3A] : memref<16640xf32, #tpu.memory_space<vmem>> -> memref<16640xf32, #tpu.memory_space<vmem>>
    %dma_start3A_14 = tpu.memref_slice %arg2[%mul3A_12] : memref<1600000xf32, #tpu.memory_space<hbm>> -> memref<16640xf32, #tpu.memory_space<hbm>>
    %dma_start3A_15 = arith.constant 0 : i32
    %dma_start3A_16 = tpu.memref_slice %arg4[%dma_start3A_15] : memref<16640xf32, #tpu.memory_space<vmem>> -> memref<16640xf32, #tpu.memory_space<vmem>>
    %dma_start3A_17 = tpu.memref_slice %arg2[%mul3A_12] : memref<1600000xf32, #tpu.memory_space<hbm>> -> memref<16640xf32, #tpu.memory_space<hbm>>
    tpu.enqueue_dma source(%dma_start3A_17 : memref<16640xf32, #tpu.memory_space<hbm>>) target(%dma_start3A_16 : memref<16640xf32, #tpu.memory_space<vmem>>) target_semaphore(%arg9 : memref<!tpu.dma_semaphore, #tpu.memory_space<semaphore_mem>>)
    %add3A_18 = arith.constant 130 : i32
    %add3A_19 = arith.addi %add3A_4, %add3A_18 : i32
    %mul3A_20 = arith.constant 128 : i32
    %mul3A_21 = arith.muli %add3A_19, %mul3A_20 : i32
    %dma_start3A_22 = arith.constant 0 : i32
    %dma_start3A_23 = tpu.memref_slice %arg5[%dma_start3A_22] : memref<16640xf32, #tpu.memory_space<vmem>> -> memref<16640xf32, #tpu.memory_space<vmem>>
    %dma_start3A_24 = tpu.memref_slice %arg2[%mul3A_21] : memref<1600000xf32, #tpu.memory_space<hbm>> -> memref<16640xf32, #tpu.memory_space<hbm>>
    %dma_start3A_25 = arith.constant 0 : i32
    %dma_start3A_26 = tpu.memref_slice %arg5[%dma_start3A_25] : memref<16640xf32, #tpu.memory_space<vmem>> -> memref<16640xf32, #tpu.memory_space<vmem>>
    %dma_start3A_27 = tpu.memref_slice %arg2[%mul3A_21] : memref<1600000xf32, #tpu.memory_space<hbm>> -> memref<16640xf32, #tpu.memory_space<hbm>>
    tpu.enqueue_dma source(%dma_start3A_27 : memref<16640xf32, #tpu.memory_space<hbm>>) target(%dma_start3A_26 : memref<16640xf32, #tpu.memory_space<vmem>>) target_semaphore(%arg10 : memref<!tpu.dma_semaphore, #tpu.memory_space<semaphore_mem>>)
    %add3A_28 = arith.constant 0 : i32
    %add3A_29 = arith.addi %add3A_4, %add3A_28 : i32
    %dma_start3A_30 = arith.constant 0 : i32
    %dma_start3A_31 = arith.constant 1 : i32
    %dma_start3A_32 = arith.constant 0 : i32
    %dma_start3A_33 = arith.constant 0 : i32
    %dma_start3A_34 = tpu.memref_slice %arg8[%dma_start3A_32, %dma_start3A_33] : memref<130x128xf32, #tpu.memory_space<vmem>> -> memref<130x128xf32, #tpu.memory_space<vmem>>
    %dma_start3A_35 = arith.constant 0 : i32
    %dma_start3A_36 = tpu.memref_slice %arg3[%dma_start3A_30, %add3A_29, %dma_start3A_31, %dma_start3A_35] : memref<2x12500x2x128xf32, #tpu.memory_space<hbm>> -> memref<1x130x1x128xf32, #tpu.memory_space<hbm>>
    %dma_start3A_37 = tpu.memref_squeeze %dma_start3A_36 : memref<1x130x1x128xf32, #tpu.memory_space<hbm>> -> memref<130x128xf32, #tpu.memory_space<hbm>>
    %dma_start3A_38 = arith.constant 0 : i32
    %dma_start3A_39 = tpu.memref_slice %arg3[%dma_start3A_30, %add3A_29, %dma_start3A_31, %dma_start3A_38] : memref<2x12500x2x128xf32, #tpu.memory_space<hbm>> -> memref<1x130x1x128xf32, #tpu.memory_space<hbm>>
    %dma_start3A_40 = tpu.memref_squeeze %dma_start3A_39 : memref<1x130x1x128xf32, #tpu.memory_space<hbm>> -> memref<130x128xf32, #tpu.memory_space<hbm>>
    %dma_start3A_41 = arith.constant 0 : i32
    %dma_start3A_42 = arith.constant 0 : i32
    %dma_start3A_43 = tpu.memref_slice %arg8[%dma_start3A_41, %dma_start3A_42] : memref<130x128xf32, #tpu.memory_space<vmem>> -> memref<130x128xf32, #tpu.memory_space<vmem>>
    tpu.enqueue_dma source(%dma_start3A_43 : memref<130x128xf32, #tpu.memory_space<vmem>>) target(%dma_start3A_40 : memref<130x128xf32, #tpu.memory_space<hbm>>) target_semaphore(%arg13 : memref<!tpu.dma_semaphore, #tpu.memory_space<semaphore_mem>>)
    %dma_start3A_44 = arith.constant 1 : i32
    %dma_start3A_45 = arith.constant 0 : i32
    %dma_start3A_46 = arith.constant 0 : i32
    %dma_start3A_47 = arith.constant 0 : i32
    %dma_start3A_48 = tpu.memref_slice %arg8[%dma_start3A_46, %dma_start3A_47] : memref<130x128xf32, #tpu.memory_space<vmem>> -> memref<130x128xf32, #tpu.memory_space<vmem>>
    %dma_start3A_49 = arith.constant 0 : i32
    %dma_start3A_50 = tpu.memref_slice %arg3[%dma_start3A_44, %add3A_29, %dma_start3A_45, %dma_start3A_49] : memref<2x12500x2x128xf32, #tpu.memory_space<hbm>> -> memref<1x130x1x128xf32, #tpu.memory_space<hbm>>
    %dma_start3A_51 = tpu.memref_squeeze %dma_start3A_50 : memref<1x130x1x128xf32, #tpu.memory_space<hbm>> -> memref<130x128xf32, #tpu.memory_space<hbm>>
    %dma_start3A_52 = arith.constant 0 : i32
    %dma_start3A_53 = tpu.memref_slice %arg3[%dma_start3A_44, %add3A_29, %dma_start3A_45, %dma_start3A_52] : memref<2x12500x2x128xf32, #tpu.memory_space<hbm>> -> memref<1x130x1x128xf32, #tpu.memory_space<hbm>>
    %dma_start3A_54 = tpu.memref_squeeze %dma_start3A_53 : memref<1x130x1x128xf32, #tpu.memory_space<hbm>> -> memref<130x128xf32, #tpu.memory_space<hbm>>
    %dma_start3A_55 = arith.constant 0 : i32
    %dma_start3A_56 = arith.constant 0 : i32
    %dma_start3A_57 = tpu.memref_slice %arg8[%dma_start3A_55, %dma_start3A_56] : memref<130x128xf32, #tpu.memory_space<vmem>> -> memref<130x128xf32, #tpu.memory_space<vmem>>
    tpu.enqueue_dma source(%dma_start3A_57 : memref<130x128xf32, #tpu.memory_space<vmem>>) target(%dma_start3A_54 : memref<130x128xf32, #tpu.memory_space<hbm>>) target_semaphore(%arg13 : memref<!tpu.dma_semaphore, #tpu.memory_space<semaphore_mem>>)
    %dma_wait3A = arith.constant 0 : i32
    %dma_wait3A_58 = tpu.memref_slice %arg4[%dma_wait3A] : memref<16640xf32, #tpu.memory_space<vmem>> -> memref<16640xf32, #tpu.memory_space<vmem>>
    %dma_wait3A_59 = tpu.memref_slice %arg2[%mul3A_12] : memref<1600000xf32, #tpu.memory_space<hbm>> -> memref<16640xf32, #tpu.memory_space<hbm>>
    %dma_wait3A_60 = arith.constant 0 : i32
    %dma_wait3A_61 = tpu.memref_slice %arg4[%dma_wait3A_60] : memref<16640xf32, #tpu.memory_space<vmem>> -> memref<16640xf32, #tpu.memory_space<vmem>>
    %dma_wait3A_62 = tpu.memref_slice %arg2[%mul3A_12] : memref<1600000xf32, #tpu.memory_space<hbm>> -> memref<16640xf32, #tpu.memory_space<hbm>>
    tpu.wait_dma2 semaphore(%arg9 : memref<!tpu.dma_semaphore, #tpu.memory_space<semaphore_mem>>) src(%dma_wait3A_62 : memref<16640xf32, #tpu.memory_space<hbm>>) dst(%dma_wait3A_61 : memref<16640xf32, #tpu.memory_space<vmem>>)
    %parallel_loop3A_63 = arith.constant 0 : i32
    %parallel_loop3A_64 = arith.constant 1040 : i32
    %parallel_loop3A_65 = arith.constant 1 : i32
    scf.for %parallel_loop3A_413 = %parallel_loop3A_63 to %parallel_loop3A_64 step %parallel_loop3A_65  : i32 {
      %parallel_loop3A_414 = arith.constant 16 : i32
      %parallel_loop3A_415 = arith.muli %parallel_loop3A_413, %parallel_loop3A_414 : i32
      %parallel_loop3A_416 = arith.index_cast %parallel_loop3A_415 : i32 to index
      %parallel_loop3A_417 = tpu.vector_load %arg4[%parallel_loop3A_416] {strides = array<i32>} : memref<16640xf32, #tpu.memory_space<vmem>>, vector<16xf32>,
      %parallel_loop3A_418 = arith.constant 8 : i32
      %parallel_loop3A_419 = arith.divsi %parallel_loop3A_413, %parallel_loop3A_418 : i32
      %parallel_loop3A_420 = arith.constant 0 : i32
      %parallel_loop3A_421 = arith.cmpi sgt, %parallel_loop3A_413, %parallel_loop3A_420 : i32
      %parallel_loop3A_422 = arith.extui %parallel_loop3A_421 : i1 to i32
      %parallel_loop3A_423 = arith.constant 0 : i32
      %parallel_loop3A_424 = arith.cmpi slt, %parallel_loop3A_413, %parallel_loop3A_423 : i32
      %parallel_loop3A_425 = arith.extui %parallel_loop3A_424 : i1 to i32
      %parallel_loop3A_426 = arith.subi %parallel_loop3A_422, %parallel_loop3A_425 : i32
      %parallel_loop3A_427 = arith.constant 0 : i32
      %parallel_loop3A_428 = arith.cmpi sgt, %parallel_loop3A_418, %parallel_loop3A_427 : i32
      %parallel_loop3A_429 = arith.extui %parallel_loop3A_428 : i1 to i32
      %parallel_loop3A_430 = arith.constant 0 : i32
      %parallel_loop3A_431 = arith.cmpi slt, %parallel_loop3A_418, %parallel_loop3A_430 : i32
      %parallel_loop3A_432 = arith.extui %parallel_loop3A_431 : i1 to i32
      %parallel_loop3A_433 = arith.subi %parallel_loop3A_429, %parallel_loop3A_432 : i32
      %parallel_loop3A_434 = arith.cmpi ne, %parallel_loop3A_426, %parallel_loop3A_433 : i32
      %parallel_loop3A_435 = arith.remsi %parallel_loop3A_413, %parallel_loop3A_418 : i32
      %parallel_loop3A_436 = arith.constant 0 : i32
      %parallel_loop3A_437 = arith.cmpi ne, %parallel_loop3A_435, %parallel_loop3A_436 : i32
      %parallel_loop3A_438 = arith.andi %parallel_loop3A_434, %parallel_loop3A_437 : i1
      %parallel_loop3A_439 = arith.constant 1 : i32
      %parallel_loop3A_440 = arith.subi %parallel_loop3A_419, %parallel_loop3A_439 : i32
      %parallel_loop3A_441 = arith.select %parallel_loop3A_438, %parallel_loop3A_440, %parallel_loop3A_419 : i32
      %parallel_loop3A_442 = arith.constant 8 : i32
      %parallel_loop3A_443 = arith.constant 0 : i32
      %parallel_loop3A_444 = arith.cmpi eq, %parallel_loop3A_442, %parallel_loop3A_443 : i32
      %parallel_loop3A_445 = arith.constant 1 : i32
      %parallel_loop3A_446 = arith.select %parallel_loop3A_444, %parallel_loop3A_445, %parallel_loop3A_442 : i32
      %parallel_loop3A_447 = arith.remsi %parallel_loop3A_413, %parallel_loop3A_446 : i32
      %parallel_loop3A_448 = arith.constant 0 : i32
      %parallel_loop3A_449 = arith.cmpi ne, %parallel_loop3A_447, %parallel_loop3A_448 : i32
      %parallel_loop3A_450 = arith.constant 0 : i32
      %parallel_loop3A_451 = arith.cmpi slt, %parallel_loop3A_447, %parallel_loop3A_450 : i32
      %parallel_loop3A_452 = arith.constant 0 : i32
      %parallel_loop3A_453 = arith.cmpi slt, %parallel_loop3A_446, %parallel_loop3A_452 : i32
      %parallel_loop3A_454 = arith.xori %parallel_loop3A_451, %parallel_loop3A_453 : i1
      %parallel_loop3A_455 = arith.andi %parallel_loop3A_454, %parallel_loop3A_449 : i1
      %parallel_loop3A_456 = arith.addi %parallel_loop3A_447, %parallel_loop3A_446 : i32
      %parallel_loop3A_457 = arith.select %parallel_loop3A_455, %parallel_loop3A_456, %parallel_loop3A_447 : i32
      %parallel_loop3A_458 = arith.constant 16 : i32
      %parallel_loop3A_459 = arith.muli %parallel_loop3A_457, %parallel_loop3A_458 : i32
      %parallel_loop3A_460 = arith.constant 2.000000e+00 : f32
      %parallel_loop3A_461 = vector.broadcast %parallel_loop3A_460 : f32 to vector<16xf32>
      %parallel_loop3A_462 = arith.mulf %parallel_loop3A_461, %parallel_loop3A_417 : vector<16xf32>
      %parallel_loop3A_463 = math.exp %parallel_loop3A_462 : vector<16xf32>
      %parallel_loop3A_464 = arith.index_cast %parallel_loop3A_441 : i32 to index
      %parallel_loop3A_465 = arith.index_cast %parallel_loop3A_459 : i32 to index
      %parallel_loop3A_466 = tpu.vector_load %arg6[%parallel_loop3A_464, %parallel_loop3A_465] {strides = array<i32>} : memref<130x128xf32, #tpu.memory_space<vmem>>, vector<16xf32>,
      tpu.vector_store %arg6[%parallel_loop3A_464, %parallel_loop3A_465], %parallel_loop3A_463 {strides = array<i32>} : memref<130x128xf32, #tpu.memory_space<vmem>>, vector<16xf32>,
    } {sc.loop_unroll_factor = 8 : i64, sc.parallel_access}
    %add3A_66 = arith.constant 0 : i32
    %add3A_67 = arith.addi %add3A_4, %add3A_66 : i32
    %dma_start3A_68 = arith.constant 0 : i32
    %dma_start3A_69 = arith.constant 0 : i32
    %dma_start3A_70 = arith.constant 0 : i32
    %dma_start3A_71 = arith.constant 0 : i32
    %dma_start3A_72 = tpu.memref_slice %arg6[%dma_start3A_70, %dma_start3A_71] : memref<130x128xf32, #tpu.memory_space<vmem>> -> memref<130x128xf32, #tpu.memory_space<vmem>>
    %dma_start3A_73 = arith.constant 0 : i32
    %dma_start3A_74 = tpu.memref_slice %arg3[%dma_start3A_68, %add3A_67, %dma_start3A_69, %dma_start3A_73] : memref<2x12500x2x128xf32, #tpu.memory_space<hbm>> -> memref<1x130x1x128xf32, #tpu.memory_space<hbm>>
    %dma_start3A_75 = tpu.memref_squeeze %dma_start3A_74 : memref<1x130x1x128xf32, #tpu.memory_space<hbm>> -> memref<130x128xf32, #tpu.memory_space<hbm>>
    %dma_start3A_76 = arith.constant 0 : i32
    %dma_start3A_77 = tpu.memref_slice %arg3[%dma_start3A_68, %add3A_67, %dma_start3A_69, %dma_start3A_76] : memref<2x12500x2x128xf32, #tpu.memory_space<hbm>> -> memref<1x130x1x128xf32, #tpu.memory_space<hbm>>
    %dma_start3A_78 = tpu.memref_squeeze %dma_start3A_77 : memref<1x130x1x128xf32, #tpu.memory_space<hbm>> -> memref<130x128xf32, #tpu.memory_space<hbm>>
    %dma_start3A_79 = arith.constant 0 : i32
    %dma_start3A_80 = arith.constant 0 : i32
    %dma_start3A_81 = tpu.memref_slice %arg6[%dma_start3A_79, %dma_start3A_80] : memref<130x128xf32, #tpu.memory_space<vmem>> -> memref<130x128xf32, #tpu.memory_space<vmem>>
    tpu.enqueue_dma source(%dma_start3A_81 : memref<130x128xf32, #tpu.memory_space<vmem>>) target(%dma_start3A_78 : memref<130x128xf32, #tpu.memory_space<hbm>>) target_semaphore(%arg11 : memref<!tpu.dma_semaphore, #tpu.memory_space<semaphore_mem>>)
    %dma_start3A_82 = arith.constant 1 : i32
    %dma_start3A_83 = arith.constant 1 : i32
    %dma_start3A_84 = arith.constant 0 : i32
    %dma_start3A_85 = arith.constant 0 : i32
    %dma_start3A_86 = tpu.memref_slice %arg6[%dma_start3A_84, %dma_start3A_85] : memref<130x128xf32, #tpu.memory_space<vmem>> -> memref<130x128xf32, #tpu.memory_space<vmem>>
    %dma_start3A_87 = arith.constant 0 : i32
    %dma_start3A_88 = tpu.memref_slice %arg3[%dma_start3A_82, %add3A_67, %dma_start3A_83, %dma_start3A_87] : memref<2x12500x2x128xf32, #tpu.memory_space<hbm>> -> memref<1x130x1x128xf32, #tpu.memory_space<hbm>>
    %dma_start3A_89 = tpu.memref_squeeze %dma_start3A_88 : memref<1x130x1x128xf32, #tpu.memory_space<hbm>> -> memref<130x128xf32, #tpu.memory_space<hbm>>
    %dma_start3A_90 = arith.constant 0 : i32
    %dma_start3A_91 = tpu.memref_slice %arg3[%dma_start3A_82, %add3A_67, %dma_start3A_83, %dma_start3A_90] : memref<2x12500x2x128xf32, #tpu.memory_space<hbm>> -> memref<1x130x1x128xf32, #tpu.memory_space<hbm>>
    %dma_start3A_92 = tpu.memref_squeeze %dma_start3A_91 : memref<1x130x1x128xf32, #tpu.memory_space<hbm>> -> memref<130x128xf32, #tpu.memory_space<hbm>>
    %dma_start3A_93 = arith.constant 0 : i32
    %dma_start3A_94 = arith.constant 0 : i32
    %dma_start3A_95 = tpu.memref_slice %arg6[%dma_start3A_93, %dma_start3A_94] : memref<130x128xf32, #tpu.memory_space<vmem>> -> memref<130x128xf32, #tpu.memory_space<vmem>>
    tpu.enqueue_dma source(%dma_start3A_95 : memref<130x128xf32, #tpu.memory_space<vmem>>) target(%dma_start3A_92 : memref<130x128xf32, #tpu.memory_space<hbm>>) target_semaphore(%arg11 : memref<!tpu.dma_semaphore, #tpu.memory_space<semaphore_mem>>)
    %add3A_96 = arith.constant 260 : i32
    %add3A_97 = arith.addi %add3A_4, %add3A_96 : i32
    %mul3A_98 = arith.constant 128 : i32
    %mul3A_99 = arith.muli %add3A_97, %mul3A_98 : i32
    %dma_start3A_100 = arith.constant 0 : i32
    %dma_start3A_101 = tpu.memref_slice %arg4[%dma_start3A_100] : memref<16640xf32, #tpu.memory_space<vmem>> -> memref<16640xf32, #tpu.memory_space<vmem>>
    %dma_start3A_102 = tpu.memref_slice %arg2[%mul3A_99] : memref<1600000xf32, #tpu.memory_space<hbm>> -> memref<16640xf32, #tpu.memory_space<hbm>>
    %dma_start3A_103 = arith.constant 0 : i32
    %dma_start3A_104 = tpu.memref_slice %arg4[%dma_start3A_103] : memref<16640xf32, #tpu.memory_space<vmem>> -> memref<16640xf32, #tpu.memory_space<vmem>>
    %dma_start3A_105 = tpu.memref_slice %arg2[%mul3A_99] : memref<1600000xf32, #tpu.memory_space<hbm>> -> memref<16640xf32, #tpu.memory_space<hbm>>
    tpu.enqueue_dma source(%dma_start3A_105 : memref<16640xf32, #tpu.memory_space<hbm>>) target(%dma_start3A_104 : memref<16640xf32, #tpu.memory_space<vmem>>) target_semaphore(%arg9 : memref<!tpu.dma_semaphore, #tpu.memory_space<semaphore_mem>>)
    %add3A_106 = arith.constant 130 : i32
    %add3A_107 = arith.addi %add3A_4, %add3A_106 : i32
    %dma_start3A_108 = arith.constant 0 : i32
    %dma_start3A_109 = arith.constant 1 : i32
    %dma_start3A_110 = arith.constant 0 : i32
    %dma_start3A_111 = arith.constant 0 : i32
    %dma_start3A_112 = tpu.memref_slice %arg8[%dma_start3A_110, %dma_start3A_111] : memref<130x128xf32, #tpu.memory_space<vmem>> -> memref<130x128xf32, #tpu.memory_space<vmem>>
    %dma_start3A_113 = arith.constant 0 : i32
    %dma_start3A_114 = tpu.memref_slice %arg3[%dma_start3A_108, %add3A_107, %dma_start3A_109, %dma_start3A_113] : memref<2x12500x2x128xf32, #tpu.memory_space<hbm>> -> memref<1x130x1x128xf32, #tpu.memory_space<hbm>>
    %dma_start3A_115 = tpu.memref_squeeze %dma_start3A_114 : memref<1x130x1x128xf32, #tpu.memory_space<hbm>> -> memref<130x128xf32, #tpu.memory_space<hbm>>
    %dma_start3A_116 = arith.constant 0 : i32
    %dma_start3A_117 = tpu.memref_slice %arg3[%dma_start3A_108, %add3A_107, %dma_start3A_109, %dma_start3A_116] : memref<2x12500x2x128xf32, #tpu.memory_space<hbm>> -> memref<1x130x1x128xf32, #tpu.memory_space<hbm>>
    %dma_start3A_118 = tpu.memref_squeeze %dma_start3A_117 : memref<1x130x1x128xf32, #tpu.memory_space<hbm>> -> memref<130x128xf32, #tpu.memory_space<hbm>>
    %dma_start3A_119 = arith.constant 0 : i32
    %dma_start3A_120 = arith.constant 0 : i32
    %dma_start3A_121 = tpu.memref_slice %arg8[%dma_start3A_119, %dma_start3A_120] : memref<130x128xf32, #tpu.memory_space<vmem>> -> memref<130x128xf32, #tpu.memory_space<vmem>>
    tpu.enqueue_dma source(%dma_start3A_121 : memref<130x128xf32, #tpu.memory_space<vmem>>) target(%dma_start3A_118 : memref<130x128xf32, #tpu.memory_space<hbm>>) target_semaphore(%arg13 : memref<!tpu.dma_semaphore, #tpu.memory_space<semaphore_mem>>)
    %dma_start3A_122 = arith.constant 1 : i32
    %dma_start3A_123 = arith.constant 0 : i32
    %dma_start3A_124 = arith.constant 0 : i32
    %dma_start3A_125 = arith.constant 0 : i32
    %dma_start3A_126 = tpu.memref_slice %arg8[%dma_start3A_124, %dma_start3A_125] : memref<130x128xf32, #tpu.memory_space<vmem>> -> memref<130x128xf32, #tpu.memory_space<vmem>>
    %dma_start3A_127 = arith.constant 0 : i32
    %dma_start3A_128 = tpu.memref_slice %arg3[%dma_start3A_122, %add3A_107, %dma_start3A_123, %dma_start3A_127] : memref<2x12500x2x128xf32, #tpu.memory_space<hbm>> -> memref<1x130x1x128xf32, #tpu.memory_space<hbm>>
    %dma_start3A_129 = tpu.memref_squeeze %dma_start3A_128 : memref<1x130x1x128xf32, #tpu.memory_space<hbm>> -> memref<130x128xf32, #tpu.memory_space<hbm>>
    %dma_start3A_130 = arith.constant 0 : i32
    %dma_start3A_131 = tpu.memref_slice %arg3[%dma_start3A_122, %add3A_107, %dma_start3A_123, %dma_start3A_130] : memref<2x12500x2x128xf32, #tpu.memory_space<hbm>> -> memref<1x130x1x128xf32, #tpu.memory_space<hbm>>
    %dma_start3A_132 = tpu.memref_squeeze %dma_start3A_131 : memref<1x130x1x128xf32, #tpu.memory_space<hbm>> -> memref<130x128xf32, #tpu.memory_space<hbm>>
    %dma_start3A_133 = arith.constant 0 : i32
    %dma_start3A_134 = arith.constant 0 : i32
    %dma_start3A_135 = tpu.memref_slice %arg8[%dma_start3A_133, %dma_start3A_134] : memref<130x128xf32, #tpu.memory_space<vmem>> -> memref<130x128xf32, #tpu.memory_space<vmem>>
    tpu.enqueue_dma source(%dma_start3A_135 : memref<130x128xf32, #tpu.memory_space<vmem>>) target(%dma_start3A_132 : memref<130x128xf32, #tpu.memory_space<hbm>>) target_semaphore(%arg13 : memref<!tpu.dma_semaphore, #tpu.memory_space<semaphore_mem>>)
    %dma_wait3A_136 = arith.constant 0 : i32
    %dma_wait3A_137 = tpu.memref_slice %arg5[%dma_wait3A_136] : memref<16640xf32, #tpu.memory_space<vmem>> -> memref<16640xf32, #tpu.memory_space<vmem>>
    %dma_wait3A_138 = tpu.memref_slice %arg2[%mul3A_21] : memref<1600000xf32, #tpu.memory_space<hbm>> -> memref<16640xf32, #tpu.memory_space<hbm>>
    %dma_wait3A_139 = arith.constant 0 : i32
    %dma_wait3A_140 = tpu.memref_slice %arg5[%dma_wait3A_139] : memref<16640xf32, #tpu.memory_space<vmem>> -> memref<16640xf32, #tpu.memory_space<vmem>>
    %dma_wait3A_141 = tpu.memref_slice %arg2[%mul3A_21] : memref<1600000xf32, #tpu.memory_space<hbm>> -> memref<16640xf32, #tpu.memory_space<hbm>>
    tpu.wait_dma2 semaphore(%arg10 : memref<!tpu.dma_semaphore, #tpu.memory_space<semaphore_mem>>) src(%dma_wait3A_141 : memref<16640xf32, #tpu.memory_space<hbm>>) dst(%dma_wait3A_140 : memref<16640xf32, #tpu.memory_space<vmem>>)
    %parallel_loop3A_142 = arith.constant 0 : i32
    %parallel_loop3A_143 = arith.constant 1040 : i32
    %parallel_loop3A_144 = arith.constant 1 : i32
    scf.for %parallel_loop3A_413 = %parallel_loop3A_142 to %parallel_loop3A_143 step %parallel_loop3A_144  : i32 {
      %parallel_loop3A_414 = arith.constant 16 : i32
      %parallel_loop3A_415 = arith.muli %parallel_loop3A_413, %parallel_loop3A_414 : i32
      %parallel_loop3A_416 = arith.index_cast %parallel_loop3A_415 : i32 to index
      %parallel_loop3A_417 = tpu.vector_load %arg5[%parallel_loop3A_416] {strides = array<i32>} : memref<16640xf32, #tpu.memory_space<vmem>>, vector<16xf32>,
      %parallel_loop3A_418 = arith.constant 8 : i32
      %parallel_loop3A_419 = arith.divsi %parallel_loop3A_413, %parallel_loop3A_418 : i32
      %parallel_loop3A_420 = arith.constant 0 : i32
      %parallel_loop3A_421 = arith.cmpi sgt, %parallel_loop3A_413, %parallel_loop3A_420 : i32
      %parallel_loop3A_422 = arith.extui %parallel_loop3A_421 : i1 to i32
      %parallel_loop3A_423 = arith.constant 0 : i32
      %parallel_loop3A_424 = arith.cmpi slt, %parallel_loop3A_413, %parallel_loop3A_423 : i32
      %parallel_loop3A_425 = arith.extui %parallel_loop3A_424 : i1 to i32
      %parallel_loop3A_426 = arith.subi %parallel_loop3A_422, %parallel_loop3A_425 : i32
      %parallel_loop3A_427 = arith.constant 0 : i32
      %parallel_loop3A_428 = arith.cmpi sgt, %parallel_loop3A_418, %parallel_loop3A_427 : i32
      %parallel_loop3A_429 = arith.extui %parallel_loop3A_428 : i1 to i32
      %parallel_loop3A_430 = arith.constant 0 : i32
      %parallel_loop3A_431 = arith.cmpi slt, %parallel_loop3A_418, %parallel_loop3A_430 : i32
      %parallel_loop3A_432 = arith.extui %parallel_loop3A_431 : i1 to i32
      %parallel_loop3A_433 = arith.subi %parallel_loop3A_429, %parallel_loop3A_432 : i32
      %parallel_loop3A_434 = arith.cmpi ne, %parallel_loop3A_426, %parallel_loop3A_433 : i32
      %parallel_loop3A_435 = arith.remsi %parallel_loop3A_413, %parallel_loop3A_418 : i32
      %parallel_loop3A_436 = arith.constant 0 : i32
      %parallel_loop3A_437 = arith.cmpi ne, %parallel_loop3A_435, %parallel_loop3A_436 : i32
      %parallel_loop3A_438 = arith.andi %parallel_loop3A_434, %parallel_loop3A_437 : i1
      %parallel_loop3A_439 = arith.constant 1 : i32
      %parallel_loop3A_440 = arith.subi %parallel_loop3A_419, %parallel_loop3A_439 : i32
      %parallel_loop3A_441 = arith.select %parallel_loop3A_438, %parallel_loop3A_440, %parallel_loop3A_419 : i32
      %parallel_loop3A_442 = arith.constant 8 : i32
      %parallel_loop3A_443 = arith.constant 0 : i32
      %parallel_loop3A_444 = arith.cmpi eq, %parallel_loop3A_442, %parallel_loop3A_443 : i32
      %parallel_loop3A_445 = arith.constant 1 : i32
      %parallel_loop3A_446 = arith.select %parallel_loop3A_444, %parallel_loop3A_445, %parallel_loop3A_442 : i32
      %parallel_loop3A_447 = arith.remsi %parallel_loop3A_413, %parallel_loop3A_446 : i32
      %parallel_loop3A_448 = arith.constant 0 : i32
      %parallel_loop3A_449 = arith.cmpi ne, %parallel_loop3A_447, %parallel_loop3A_448 : i32
      %parallel_loop3A_450 = arith.constant 0 : i32
      %parallel_loop3A_451 = arith.cmpi slt, %parallel_loop3A_447, %parallel_loop3A_450 : i32
      %parallel_loop3A_452 = arith.constant 0 : i32
      %parallel_loop3A_453 = arith.cmpi slt, %parallel_loop3A_446, %parallel_loop3A_452 : i32
      %parallel_loop3A_454 = arith.xori %parallel_loop3A_451, %parallel_loop3A_453 : i1
      %parallel_loop3A_455 = arith.andi %parallel_loop3A_454, %parallel_loop3A_449 : i1
      %parallel_loop3A_456 = arith.addi %parallel_loop3A_447, %parallel_loop3A_446 : i32
      %parallel_loop3A_457 = arith.select %parallel_loop3A_455, %parallel_loop3A_456, %parallel_loop3A_447 : i32
      %parallel_loop3A_458 = arith.constant 16 : i32
      %parallel_loop3A_459 = arith.muli %parallel_loop3A_457, %parallel_loop3A_458 : i32
      %parallel_loop3A_460 = arith.constant 2.000000e+00 : f32
      %parallel_loop3A_461 = vector.broadcast %parallel_loop3A_460 : f32 to vector<16xf32>
      %parallel_loop3A_462 = arith.mulf %parallel_loop3A_461, %parallel_loop3A_417 : vector<16xf32>
      %parallel_loop3A_463 = math.exp %parallel_loop3A_462 : vector<16xf32>
      %parallel_loop3A_464 = arith.index_cast %parallel_loop3A_441 : i32 to index
      %parallel_loop3A_465 = arith.index_cast %parallel_loop3A_459 : i32 to index
      %parallel_loop3A_466 = tpu.vector_load %arg7[%parallel_loop3A_464, %parallel_loop3A_465] {strides = array<i32>} : memref<130x128xf32, #tpu.memory_space<vmem>>, vector<16xf32>,
      tpu.vector_store %arg7[%parallel_loop3A_464, %parallel_loop3A_465], %parallel_loop3A_463 {strides = array<i32>} : memref<130x128xf32, #tpu.memory_space<vmem>>, vector<16xf32>,
    } {sc.loop_unroll_factor = 8 : i64, sc.parallel_access}
    %add3A_145 = arith.constant 130 : i32
    %add3A_146 = arith.addi %add3A_4, %add3A_145 : i32
    %dma_start3A_147 = arith.constant 0 : i32
    %dma_start3A_148 = arith.constant 0 : i32
    %dma_start3A_149 = arith.constant 0 : i32
    %dma_start3A_150 = arith.constant 0 : i32
    %dma_start3A_151 = tpu.memref_slice %arg7[%dma_start3A_149, %dma_start3A_150] : memref<130x128xf32, #tpu.memory_space<vmem>> -> memref<130x128xf32, #tpu.memory_space<vmem>>
    %dma_start3A_152 = arith.constant 0 : i32
    %dma_start3A_153 = tpu.memref_slice %arg3[%dma_start3A_147, %add3A_146, %dma_start3A_148, %dma_start3A_152] : memref<2x12500x2x128xf32, #tpu.memory_space<hbm>> -> memref<1x130x1x128xf32, #tpu.memory_space<hbm>>
    %dma_start3A_154 = tpu.memref_squeeze %dma_start3A_153 : memref<1x130x1x128xf32, #tpu.memory_space<hbm>> -> memref<130x128xf32, #tpu.memory_space<hbm>>
    %dma_start3A_155 = arith.constant 0 : i32
    %dma_start3A_156 = tpu.memref_slice %arg3[%dma_start3A_147, %add3A_146, %dma_start3A_148, %dma_start3A_155] : memref<2x12500x2x128xf32, #tpu.memory_space<hbm>> -> memref<1x130x1x128xf32, #tpu.memory_space<hbm>>
    %dma_start3A_157 = tpu.memref_squeeze %dma_start3A_156 : memref<1x130x1x128xf32, #tpu.memory_space<hbm>> -> memref<130x128xf32, #tpu.memory_space<hbm>>
    %dma_start3A_158 = arith.constant 0 : i32
    %dma_start3A_159 = arith.constant 0 : i32
    %dma_start3A_160 = tpu.memref_slice %arg7[%dma_start3A_158, %dma_start3A_159] : memref<130x128xf32, #tpu.memory_space<vmem>> -> memref<130x128xf32, #tpu.memory_space<vmem>>
    tpu.enqueue_dma source(%dma_start3A_160 : memref<130x128xf32, #tpu.memory_space<vmem>>) target(%dma_start3A_157 : memref<130x128xf32, #tpu.memory_space<hbm>>) target_semaphore(%arg12 : memref<!tpu.dma_semaphore, #tpu.memory_space<semaphore_mem>>)
    %dma_start3A_161 = arith.constant 1 : i32
    %dma_start3A_162 = arith.constant 1 : i32
    %dma_start3A_163 = arith.constant 0 : i32
    %dma_start3A_164 = arith.constant 0 : i32
    %dma_start3A_165 = tpu.memref_slice %arg7[%dma_start3A_163, %dma_start3A_164] : memref<130x128xf32, #tpu.memory_space<vmem>> -> memref<130x128xf32, #tpu.memory_space<vmem>>
    %dma_start3A_166 = arith.constant 0 : i32
    %dma_start3A_167 = tpu.memref_slice %arg3[%dma_start3A_161, %add3A_146, %dma_start3A_162, %dma_start3A_166] : memref<2x12500x2x128xf32, #tpu.memory_space<hbm>> -> memref<1x130x1x128xf32, #tpu.memory_space<hbm>>
    %dma_start3A_168 = tpu.memref_squeeze %dma_start3A_167 : memref<1x130x1x128xf32, #tpu.memory_space<hbm>> -> memref<130x128xf32, #tpu.memory_space<hbm>>
    %dma_start3A_169 = arith.constant 0 : i32
    %dma_start3A_170 = tpu.memref_slice %arg3[%dma_start3A_161, %add3A_146, %dma_start3A_162, %dma_start3A_169] : memref<2x12500x2x128xf32, #tpu.memory_space<hbm>> -> memref<1x130x1x128xf32, #tpu.memory_space<hbm>>
    %dma_start3A_171 = tpu.memref_squeeze %dma_start3A_170 : memref<1x130x1x128xf32, #tpu.memory_space<hbm>> -> memref<130x128xf32, #tpu.memory_space<hbm>>
    %dma_start3A_172 = arith.constant 0 : i32
    %dma_start3A_173 = arith.constant 0 : i32
    %dma_start3A_174 = tpu.memref_slice %arg7[%dma_start3A_172, %dma_start3A_173] : memref<130x128xf32, #tpu.memory_space<vmem>> -> memref<130x128xf32, #tpu.memory_space<vmem>>
    tpu.enqueue_dma source(%dma_start3A_174 : memref<130x128xf32, #tpu.memory_space<vmem>>) target(%dma_start3A_171 : memref<130x128xf32, #tpu.memory_space<hbm>>) target_semaphore(%arg12 : memref<!tpu.dma_semaphore, #tpu.memory_space<semaphore_mem>>)
    %add3A_175 = arith.constant 260 : i32
    %add3A_176 = arith.addi %add3A_4, %add3A_175 : i32
    %dma_start3A_177 = arith.constant 0 : i32
    %dma_start3A_178 = arith.constant 1 : i32
    %dma_start3A_179 = arith.constant 0 : i32
    %dma_start3A_180 = arith.constant 0 : i32
    %dma_start3A_181 = tpu.memref_slice %arg8[%dma_start3A_179, %dma_start3A_180] : memref<130x128xf32, #tpu.memory_space<vmem>> -> memref<130x128xf32, #tpu.memory_space<vmem>>
    %dma_start3A_182 = arith.constant 0 : i32
    %dma_start3A_183 = tpu.memref_slice %arg3[%dma_start3A_177, %add3A_176, %dma_start3A_178, %dma_start3A_182] : memref<2x12500x2x128xf32, #tpu.memory_space<hbm>> -> memref<1x130x1x128xf32, #tpu.memory_space<hbm>>
    %dma_start3A_184 = tpu.memref_squeeze %dma_start3A_183 : memref<1x130x1x128xf32, #tpu.memory_space<hbm>> -> memref<130x128xf32, #tpu.memory_space<hbm>>
    %dma_start3A_185 = arith.constant 0 : i32
    %dma_start3A_186 = tpu.memref_slice %arg3[%dma_start3A_177, %add3A_176, %dma_start3A_178, %dma_start3A_185] : memref<2x12500x2x128xf32, #tpu.memory_space<hbm>> -> memref<1x130x1x128xf32, #tpu.memory_space<hbm>>
    %dma_start3A_187 = tpu.memref_squeeze %dma_start3A_186 : memref<1x130x1x128xf32, #tpu.memory_space<hbm>> -> memref<130x128xf32, #tpu.memory_space<hbm>>
    %dma_start3A_188 = arith.constant 0 : i32
    %dma_start3A_189 = arith.constant 0 : i32
    %dma_start3A_190 = tpu.memref_slice %arg8[%dma_start3A_188, %dma_start3A_189] : memref<130x128xf32, #tpu.memory_space<vmem>> -> memref<130x128xf32, #tpu.memory_space<vmem>>
    tpu.enqueue_dma source(%dma_start3A_190 : memref<130x128xf32, #tpu.memory_space<vmem>>) target(%dma_start3A_187 : memref<130x128xf32, #tpu.memory_space<hbm>>) target_semaphore(%arg13 : memref<!tpu.dma_semaphore, #tpu.memory_space<semaphore_mem>>)
    %dma_start3A_191 = arith.constant 1 : i32
    %dma_start3A_192 = arith.constant 0 : i32
    %dma_start3A_193 = arith.constant 0 : i32
    %dma_start3A_194 = arith.constant 0 : i32
    %dma_start3A_195 = tpu.memref_slice %arg8[%dma_start3A_193, %dma_start3A_194] : memref<130x128xf32, #tpu.memory_space<vmem>> -> memref<130x128xf32, #tpu.memory_space<vmem>>
    %dma_start3A_196 = arith.constant 0 : i32
    %dma_start3A_197 = tpu.memref_slice %arg3[%dma_start3A_191, %add3A_176, %dma_start3A_192, %dma_start3A_196] : memref<2x12500x2x128xf32, #tpu.memory_space<hbm>> -> memref<1x130x1x128xf32, #tpu.memory_space<hbm>>
    %dma_start3A_198 = tpu.memref_squeeze %dma_start3A_197 : memref<1x130x1x128xf32, #tpu.memory_space<hbm>> -> memref<130x128xf32, #tpu.memory_space<hbm>>
    %dma_start3A_199 = arith.constant 0 : i32
    %dma_start3A_200 = tpu.memref_slice %arg3[%dma_start3A_191, %add3A_176, %dma_start3A_192, %dma_start3A_199] : memref<2x12500x2x128xf32, #tpu.memory_space<hbm>> -> memref<1x130x1x128xf32, #tpu.memory_space<hbm>>
    %dma_start3A_201 = tpu.memref_squeeze %dma_start3A_200 : memref<1x130x1x128xf32, #tpu.memory_space<hbm>> -> memref<130x128xf32, #tpu.memory_space<hbm>>
    %dma_start3A_202 = arith.constant 0 : i32
    %dma_start3A_203 = arith.constant 0 : i32
    %dma_start3A_204 = tpu.memref_slice %arg8[%dma_start3A_202, %dma_start3A_203] : memref<130x128xf32, #tpu.memory_space<vmem>> -> memref<130x128xf32, #tpu.memory_space<vmem>>
    tpu.enqueue_dma source(%dma_start3A_204 : memref<130x128xf32, #tpu.memory_space<vmem>>) target(%dma_start3A_201 : memref<130x128xf32, #tpu.memory_space<hbm>>) target_semaphore(%arg13 : memref<!tpu.dma_semaphore, #tpu.memory_space<semaphore_mem>>)
    %dma_wait3A_205 = arith.constant 0 : i32
    %dma_wait3A_206 = tpu.memref_slice %arg4[%dma_wait3A_205] : memref<16640xf32, #tpu.memory_space<vmem>> -> memref<16640xf32, #tpu.memory_space<vmem>>
    %dma_wait3A_207 = tpu.memref_slice %arg2[%mul3A_99] : memref<1600000xf32, #tpu.memory_space<hbm>> -> memref<16640xf32, #tpu.memory_space<hbm>>
    %dma_wait3A_208 = arith.constant 0 : i32
    %dma_wait3A_209 = tpu.memref_slice %arg4[%dma_wait3A_208] : memref<16640xf32, #tpu.memory_space<vmem>> -> memref<16640xf32, #tpu.memory_space<vmem>>
    %dma_wait3A_210 = tpu.memref_slice %arg2[%mul3A_99] : memref<1600000xf32, #tpu.memory_space<hbm>> -> memref<16640xf32, #tpu.memory_space<hbm>>
    tpu.wait_dma2 semaphore(%arg9 : memref<!tpu.dma_semaphore, #tpu.memory_space<semaphore_mem>>) src(%dma_wait3A_210 : memref<16640xf32, #tpu.memory_space<hbm>>) dst(%dma_wait3A_209 : memref<16640xf32, #tpu.memory_space<vmem>>)
    %dma_wait3A_211 = arith.constant 0 : i32
    %dma_wait3A_212 = arith.constant 0 : i32
    %dma_wait3A_213 = arith.constant 0 : i32
    %dma_wait3A_214 = arith.constant 0 : i32
    %dma_wait3A_215 = tpu.memref_slice %arg6[%dma_wait3A_213, %dma_wait3A_214] : memref<130x128xf32, #tpu.memory_space<vmem>> -> memref<130x128xf32, #tpu.memory_space<vmem>>
    %dma_wait3A_216 = arith.constant 0 : i32
    %dma_wait3A_217 = tpu.memref_slice %arg3[%dma_wait3A_211, %add3A_67, %dma_wait3A_212, %dma_wait3A_216] : memref<2x12500x2x128xf32, #tpu.memory_space<hbm>> -> memref<1x130x1x128xf32, #tpu.memory_space<hbm>>
    %dma_wait3A_218 = tpu.memref_squeeze %dma_wait3A_217 : memref<1x130x1x128xf32, #tpu.memory_space<hbm>> -> memref<130x128xf32, #tpu.memory_space<hbm>>
    %dma_wait3A_219 = arith.constant 0 : i32
    %dma_wait3A_220 = tpu.memref_slice %arg3[%dma_wait3A_211, %add3A_67, %dma_wait3A_212, %dma_wait3A_219] : memref<2x12500x2x128xf32, #tpu.memory_space<hbm>> -> memref<1x130x1x128xf32, #tpu.memory_space<hbm>>
    %dma_wait3A_221 = tpu.memref_squeeze %dma_wait3A_220 : memref<1x130x1x128xf32, #tpu.memory_space<hbm>> -> memref<130x128xf32, #tpu.memory_space<hbm>>
    %dma_wait3A_222 = arith.constant 0 : i32
    %dma_wait3A_223 = arith.constant 0 : i32
    %dma_wait3A_224 = tpu.memref_slice %arg6[%dma_wait3A_222, %dma_wait3A_223] : memref<130x128xf32, #tpu.memory_space<vmem>> -> memref<130x128xf32, #tpu.memory_space<vmem>>
    tpu.wait_dma2 semaphore(%arg11 : memref<!tpu.dma_semaphore, #tpu.memory_space<semaphore_mem>>) src(%dma_wait3A_224 : memref<130x128xf32, #tpu.memory_space<vmem>>) dst(%dma_wait3A_221 : memref<130x128xf32, #tpu.memory_space<hbm>>)
    %dma_wait3A_225 = arith.constant 1 : i32
    %dma_wait3A_226 = arith.constant 1 : i32
    %dma_wait3A_227 = arith.constant 0 : i32
    %dma_wait3A_228 = arith.constant 0 : i32
    %dma_wait3A_229 = tpu.memref_slice %arg6[%dma_wait3A_227, %dma_wait3A_228] : memref<130x128xf32, #tpu.memory_space<vmem>> -> memref<130x128xf32, #tpu.memory_space<vmem>>
    %dma_wait3A_230 = arith.constant 0 : i32
    %dma_wait3A_231 = tpu.memref_slice %arg3[%dma_wait3A_225, %add3A_67, %dma_wait3A_226, %dma_wait3A_230] : memref<2x12500x2x128xf32, #tpu.memory_space<hbm>> -> memref<1x130x1x128xf32, #tpu.memory_space<hbm>>
    %dma_wait3A_232 = tpu.memref_squeeze %dma_wait3A_231 : memref<1x130x1x128xf32, #tpu.memory_space<hbm>> -> memref<130x128xf32, #tpu.memory_space<hbm>>
    %dma_wait3A_233 = arith.constant 0 : i32
    %dma_wait3A_234 = tpu.memref_slice %arg3[%dma_wait3A_225, %add3A_67, %dma_wait3A_226, %dma_wait3A_233] : memref<2x12500x2x128xf32, #tpu.memory_space<hbm>> -> memref<1x130x1x128xf32, #tpu.memory_space<hbm>>
    %dma_wait3A_235 = tpu.memref_squeeze %dma_wait3A_234 : memref<1x130x1x128xf32, #tpu.memory_space<hbm>> -> memref<130x128xf32, #tpu.memory_space<hbm>>
    %dma_wait3A_236 = arith.constant 0 : i32
    %dma_wait3A_237 = arith.constant 0 : i32
    %dma_wait3A_238 = tpu.memref_slice %arg6[%dma_wait3A_236, %dma_wait3A_237] : memref<130x128xf32, #tpu.memory_space<vmem>> -> memref<130x128xf32, #tpu.memory_space<vmem>>
    tpu.wait_dma2 semaphore(%arg11 : memref<!tpu.dma_semaphore, #tpu.memory_space<semaphore_mem>>) src(%dma_wait3A_238 : memref<130x128xf32, #tpu.memory_space<vmem>>) dst(%dma_wait3A_235 : memref<130x128xf32, #tpu.memory_space<hbm>>)
    %parallel_loop3A_239 = arith.constant 0 : i32
    %parallel_loop3A_240 = arith.constant 1040 : i32
    %parallel_loop3A_241 = arith.constant 1 : i32
    scf.for %parallel_loop3A_413 = %parallel_loop3A_239 to %parallel_loop3A_240 step %parallel_loop3A_241  : i32 {
      %parallel_loop3A_414 = arith.constant 16 : i32
      %parallel_loop3A_415 = arith.muli %parallel_loop3A_413, %parallel_loop3A_414 : i32
      %parallel_loop3A_416 = arith.index_cast %parallel_loop3A_415 : i32 to index
      %parallel_loop3A_417 = tpu.vector_load %arg4[%parallel_loop3A_416] {strides = array<i32>} : memref<16640xf32, #tpu.memory_space<vmem>>, vector<16xf32>,
      %parallel_loop3A_418 = arith.constant 8 : i32
      %parallel_loop3A_419 = arith.divsi %parallel_loop3A_413, %parallel_loop3A_418 : i32
      %parallel_loop3A_420 = arith.constant 0 : i32
      %parallel_loop3A_421 = arith.cmpi sgt, %parallel_loop3A_413, %parallel_loop3A_420 : i32
      %parallel_loop3A_422 = arith.extui %parallel_loop3A_421 : i1 to i32
      %parallel_loop3A_423 = arith.constant 0 : i32
      %parallel_loop3A_424 = arith.cmpi slt, %parallel_loop3A_413, %parallel_loop3A_423 : i32
      %parallel_loop3A_425 = arith.extui %parallel_loop3A_424 : i1 to i32
      %parallel_loop3A_426 = arith.subi %parallel_loop3A_422, %parallel_loop3A_425 : i32
      %parallel_loop3A_427 = arith.constant 0 : i32
      %parallel_loop3A_428 = arith.cmpi sgt, %parallel_loop3A_418, %parallel_loop3A_427 : i32
      %parallel_loop3A_429 = arith.extui %parallel_loop3A_428 : i1 to i32
      %parallel_loop3A_430 = arith.constant 0 : i32
      %parallel_loop3A_431 = arith.cmpi slt, %parallel_loop3A_418, %parallel_loop3A_430 : i32
      %parallel_loop3A_432 = arith.extui %parallel_loop3A_431 : i1 to i32
      %parallel_loop3A_433 = arith.subi %parallel_loop3A_429, %parallel_loop3A_432 : i32
      %parallel_loop3A_434 = arith.cmpi ne, %parallel_loop3A_426, %parallel_loop3A_433 : i32
      %parallel_loop3A_435 = arith.remsi %parallel_loop3A_413, %parallel_loop3A_418 : i32
      %parallel_loop3A_436 = arith.constant 0 : i32
      %parallel_loop3A_437 = arith.cmpi ne, %parallel_loop3A_435, %parallel_loop3A_436 : i32
      %parallel_loop3A_438 = arith.andi %parallel_loop3A_434, %parallel_loop3A_437 : i1
      %parallel_loop3A_439 = arith.constant 1 : i32
      %parallel_loop3A_440 = arith.subi %parallel_loop3A_419, %parallel_loop3A_439 : i32
      %parallel_loop3A_441 = arith.select %parallel_loop3A_438, %parallel_loop3A_440, %parallel_loop3A_419 : i32
      %parallel_loop3A_442 = arith.constant 8 : i32
      %parallel_loop3A_443 = arith.constant 0 : i32
      %parallel_loop3A_444 = arith.cmpi eq, %parallel_loop3A_442, %parallel_loop3A_443 : i32
      %parallel_loop3A_445 = arith.constant 1 : i32
      %parallel_loop3A_446 = arith.select %parallel_loop3A_444, %parallel_loop3A_445, %parallel_loop3A_442 : i32
      %parallel_loop3A_447 = arith.remsi %parallel_loop3A_413, %parallel_loop3A_446 : i32
      %parallel_loop3A_448 = arith.constant 0 : i32
      %parallel_loop3A_449 = arith.cmpi ne, %parallel_loop3A_447, %parallel_loop3A_448 : i32
      %parallel_loop3A_450 = arith.constant 0 : i32
      %parallel_loop3A_451 = arith.cmpi slt, %parallel_loop3A_447, %parallel_loop3A_450 : i32
      %parallel_loop3A_452 = arith.constant 0 : i32
      %parallel_loop3A_453 = arith.cmpi slt, %parallel_loop3A_446, %parallel_loop3A_452 : i32
      %parallel_loop3A_454 = arith.xori %parallel_loop3A_451, %parallel_loop3A_453 : i1
      %parallel_loop3A_455 = arith.andi %parallel_loop3A_454, %parallel_loop3A_449 : i1
      %parallel_loop3A_456 = arith.addi %parallel_loop3A_447, %parallel_loop3A_446 : i32
      %parallel_loop3A_457 = arith.select %parallel_loop3A_455, %parallel_loop3A_456, %parallel_loop3A_447 : i32
      %parallel_loop3A_458 = arith.constant 16 : i32
      %parallel_loop3A_459 = arith.muli %parallel_loop3A_457, %parallel_loop3A_458 : i32
      %parallel_loop3A_460 = arith.constant 2.000000e+00 : f32
      %parallel_loop3A_461 = vector.broadcast %parallel_loop3A_460 : f32 to vector<16xf32>
      %parallel_loop3A_462 = arith.mulf %parallel_loop3A_461, %parallel_loop3A_417 : vector<16xf32>
      %parallel_loop3A_463 = math.exp %parallel_loop3A_462 : vector<16xf32>
      %parallel_loop3A_464 = arith.index_cast %parallel_loop3A_441 : i32 to index
      %parallel_loop3A_465 = arith.index_cast %parallel_loop3A_459 : i32 to index
      %parallel_loop3A_466 = tpu.vector_load %arg6[%parallel_loop3A_464, %parallel_loop3A_465] {strides = array<i32>} : memref<130x128xf32, #tpu.memory_space<vmem>>, vector<16xf32>,
      tpu.vector_store %arg6[%parallel_loop3A_464, %parallel_loop3A_465], %parallel_loop3A_463 {strides = array<i32>} : memref<130x128xf32, #tpu.memory_space<vmem>>, vector<16xf32>,
    } {sc.loop_unroll_factor = 8 : i64, sc.parallel_access}
    %add3A_242 = arith.constant 260 : i32
    %add3A_243 = arith.addi %add3A_4, %add3A_242 : i32
    %dma_start3A_244 = arith.constant 0 : i32
    %dma_start3A_245 = arith.constant 0 : i32
    %dma_start3A_246 = arith.constant 0 : i32
    %dma_start3A_247 = arith.constant 0 : i32
    %dma_start3A_248 = tpu.memref_slice %arg6[%dma_start3A_246, %dma_start3A_247] : memref<130x128xf32, #tpu.memory_space<vmem>> -> memref<130x128xf32, #tpu.memory_space<vmem>>
    %dma_start3A_249 = arith.constant 0 : i32
    %dma_start3A_250 = tpu.memref_slice %arg3[%dma_start3A_244, %add3A_243, %dma_start3A_245, %dma_start3A_249] : memref<2x12500x2x128xf32, #tpu.memory_space<hbm>> -> memref<1x130x1x128xf32, #tpu.memory_space<hbm>>
    %dma_start3A_251 = tpu.memref_squeeze %dma_start3A_250 : memref<1x130x1x128xf32, #tpu.memory_space<hbm>> -> memref<130x128xf32, #tpu.memory_space<hbm>>
    %dma_start3A_252 = arith.constant 0 : i32
    %dma_start3A_253 = tpu.memref_slice %arg3[%dma_start3A_244, %add3A_243, %dma_start3A_245, %dma_start3A_252] : memref<2x12500x2x128xf32, #tpu.memory_space<hbm>> -> memref<1x130x1x128xf32, #tpu.memory_space<hbm>>
    %dma_start3A_254 = tpu.memref_squeeze %dma_start3A_253 : memref<1x130x1x128xf32, #tpu.memory_space<hbm>> -> memref<130x128xf32, #tpu.memory_space<hbm>>
    %dma_start3A_255 = arith.constant 0 : i32
    %dma_start3A_256 = arith.constant 0 : i32
    %dma_start3A_257 = tpu.memref_slice %arg6[%dma_start3A_255, %dma_start3A_256] : memref<130x128xf32, #tpu.memory_space<vmem>> -> memref<130x128xf32, #tpu.memory_space<vmem>>
    tpu.enqueue_dma source(%dma_start3A_257 : memref<130x128xf32, #tpu.memory_space<vmem>>) target(%dma_start3A_254 : memref<130x128xf32, #tpu.memory_space<hbm>>) target_semaphore(%arg11 : memref<!tpu.dma_semaphore, #tpu.memory_space<semaphore_mem>>)
    %dma_start3A_258 = arith.constant 1 : i32
    %dma_start3A_259 = arith.constant 1 : i32
    %dma_start3A_260 = arith.constant 0 : i32
    %dma_start3A_261 = arith.constant 0 : i32
    %dma_start3A_262 = tpu.memref_slice %arg6[%dma_start3A_260, %dma_start3A_261] : memref<130x128xf32, #tpu.memory_space<vmem>> -> memref<130x128xf32, #tpu.memory_space<vmem>>
    %dma_start3A_263 = arith.constant 0 : i32
    %dma_start3A_264 = tpu.memref_slice %arg3[%dma_start3A_258, %add3A_243, %dma_start3A_259, %dma_start3A_263] : memref<2x12500x2x128xf32, #tpu.memory_space<hbm>> -> memref<1x130x1x128xf32, #tpu.memory_space<hbm>>
    %dma_start3A_265 = tpu.memref_squeeze %dma_start3A_264 : memref<1x130x1x128xf32, #tpu.memory_space<hbm>> -> memref<130x128xf32, #tpu.memory_space<hbm>>
    %dma_start3A_266 = arith.constant 0 : i32
    %dma_start3A_267 = tpu.memref_slice %arg3[%dma_start3A_258, %add3A_243, %dma_start3A_259, %dma_start3A_266] : memref<2x12500x2x128xf32, #tpu.memory_space<hbm>> -> memref<1x130x1x128xf32, #tpu.memory_space<hbm>>
    %dma_start3A_268 = tpu.memref_squeeze %dma_start3A_267 : memref<1x130x1x128xf32, #tpu.memory_space<hbm>> -> memref<130x128xf32, #tpu.memory_space<hbm>>
    %dma_start3A_269 = arith.constant 0 : i32
    %dma_start3A_270 = arith.constant 0 : i32
    %dma_start3A_271 = tpu.memref_slice %arg6[%dma_start3A_269, %dma_start3A_270] : memref<130x128xf32, #tpu.memory_space<vmem>> -> memref<130x128xf32, #tpu.memory_space<vmem>>
    tpu.enqueue_dma source(%dma_start3A_271 : memref<130x128xf32, #tpu.memory_space<vmem>>) target(%dma_start3A_268 : memref<130x128xf32, #tpu.memory_space<hbm>>) target_semaphore(%arg11 : memref<!tpu.dma_semaphore, #tpu.memory_space<semaphore_mem>>)
    %dma_wait3A_272 = arith.constant 0 : i32
    %dma_wait3A_273 = arith.constant 0 : i32
    %dma_wait3A_274 = arith.constant 0 : i32
    %dma_wait3A_275 = arith.constant 0 : i32
    %dma_wait3A_276 = tpu.memref_slice %arg6[%dma_wait3A_274, %dma_wait3A_275] : memref<130x128xf32, #tpu.memory_space<vmem>> -> memref<130x128xf32, #tpu.memory_space<vmem>>
    %dma_wait3A_277 = arith.constant 0 : i32
    %dma_wait3A_278 = tpu.memref_slice %arg3[%dma_wait3A_272, %add3A_243, %dma_wait3A_273, %dma_wait3A_277] : memref<2x12500x2x128xf32, #tpu.memory_space<hbm>> -> memref<1x130x1x128xf32, #tpu.memory_space<hbm>>
    %dma_wait3A_279 = tpu.memref_squeeze %dma_wait3A_278 : memref<1x130x1x128xf32, #tpu.memory_space<hbm>> -> memref<130x128xf32, #tpu.memory_space<hbm>>
    %dma_wait3A_280 = arith.constant 0 : i32
    %dma_wait3A_281 = tpu.memref_slice %arg3[%dma_wait3A_272, %add3A_243, %dma_wait3A_273, %dma_wait3A_280] : memref<2x12500x2x128xf32, #tpu.memory_space<hbm>> -> memref<1x130x1x128xf32, #tpu.memory_space<hbm>>
    %dma_wait3A_282 = tpu.memref_squeeze %dma_wait3A_281 : memref<1x130x1x128xf32, #tpu.memory_space<hbm>> -> memref<130x128xf32, #tpu.memory_space<hbm>>
    %dma_wait3A_283 = arith.constant 0 : i32
    %dma_wait3A_284 = arith.constant 0 : i32
    %dma_wait3A_285 = tpu.memref_slice %arg6[%dma_wait3A_283, %dma_wait3A_284] : memref<130x128xf32, #tpu.memory_space<vmem>> -> memref<130x128xf32, #tpu.memory_space<vmem>>
    tpu.wait_dma2 semaphore(%arg11 : memref<!tpu.dma_semaphore, #tpu.memory_space<semaphore_mem>>) src(%dma_wait3A_285 : memref<130x128xf32, #tpu.memory_space<vmem>>) dst(%dma_wait3A_282 : memref<130x128xf32, #tpu.memory_space<hbm>>)
    %dma_wait3A_286 = arith.constant 1 : i32
    %dma_wait3A_287 = arith.constant 1 : i32
    %dma_wait3A_288 = arith.constant 0 : i32
    %dma_wait3A_289 = arith.constant 0 : i32
    %dma_wait3A_290 = tpu.memref_slice %arg6[%dma_wait3A_288, %dma_wait3A_289] : memref<130x128xf32, #tpu.memory_space<vmem>> -> memref<130x128xf32, #tpu.memory_space<vmem>>
    %dma_wait3A_291 = arith.constant 0 : i32
    %dma_wait3A_292 = tpu.memref_slice %arg3[%dma_wait3A_286, %add3A_243, %dma_wait3A_287, %dma_wait3A_291] : memref<2x12500x2x128xf32, #tpu.memory_space<hbm>> -> memref<1x130x1x128xf32, #tpu.memory_space<hbm>>
    %dma_wait3A_293 = tpu.memref_squeeze %dma_wait3A_292 : memref<1x130x1x128xf32, #tpu.memory_space<hbm>> -> memref<130x128xf32, #tpu.memory_space<hbm>>
    %dma_wait3A_294 = arith.constant 0 : i32
    %dma_wait3A_295 = tpu.memref_slice %arg3[%dma_wait3A_286, %add3A_243, %dma_wait3A_287, %dma_wait3A_294] : memref<2x12500x2x128xf32, #tpu.memory_space<hbm>> -> memref<1x130x1x128xf32, #tpu.memory_space<hbm>>
    %dma_wait3A_296 = tpu.memref_squeeze %dma_wait3A_295 : memref<1x130x1x128xf32, #tpu.memory_space<hbm>> -> memref<130x128xf32, #tpu.memory_space<hbm>>
    %dma_wait3A_297 = arith.constant 0 : i32
    %dma_wait3A_298 = arith.constant 0 : i32
    %dma_wait3A_299 = tpu.memref_slice %arg6[%dma_wait3A_297, %dma_wait3A_298] : memref<130x128xf32, #tpu.memory_space<vmem>> -> memref<130x128xf32, #tpu.memory_space<vmem>>
    tpu.wait_dma2 semaphore(%arg11 : memref<!tpu.dma_semaphore, #tpu.memory_space<semaphore_mem>>) src(%dma_wait3A_299 : memref<130x128xf32, #tpu.memory_space<vmem>>) dst(%dma_wait3A_296 : memref<130x128xf32, #tpu.memory_space<hbm>>)
    %dma_wait3A_300 = arith.constant 0 : i32
    %dma_wait3A_301 = arith.constant 0 : i32
    %dma_wait3A_302 = arith.constant 0 : i32
    %dma_wait3A_303 = arith.constant 0 : i32
    %dma_wait3A_304 = tpu.memref_slice %arg7[%dma_wait3A_302, %dma_wait3A_303] : memref<130x128xf32, #tpu.memory_space<vmem>> -> memref<130x128xf32, #tpu.memory_space<vmem>>
    %dma_wait3A_305 = arith.constant 0 : i32
    %dma_wait3A_306 = tpu.memref_slice %arg3[%dma_wait3A_300, %add3A_146, %dma_wait3A_301, %dma_wait3A_305] : memref<2x12500x2x128xf32, #tpu.memory_space<hbm>> -> memref<1x130x1x128xf32, #tpu.memory_space<hbm>>
    %dma_wait3A_307 = tpu.memref_squeeze %dma_wait3A_306 : memref<1x130x1x128xf32, #tpu.memory_space<hbm>> -> memref<130x128xf32, #tpu.memory_space<hbm>>
    %dma_wait3A_308 = arith.constant 0 : i32
    %dma_wait3A_309 = tpu.memref_slice %arg3[%dma_wait3A_300, %add3A_146, %dma_wait3A_301, %dma_wait3A_308] : memref<2x12500x2x128xf32, #tpu.memory_space<hbm>> -> memref<1x130x1x128xf32, #tpu.memory_space<hbm>>
    %dma_wait3A_310 = tpu.memref_squeeze %dma_wait3A_309 : memref<1x130x1x128xf32, #tpu.memory_space<hbm>> -> memref<130x128xf32, #tpu.memory_space<hbm>>
    %dma_wait3A_311 = arith.constant 0 : i32
    %dma_wait3A_312 = arith.constant 0 : i32
    %dma_wait3A_313 = tpu.memref_slice %arg7[%dma_wait3A_311, %dma_wait3A_312] : memref<130x128xf32, #tpu.memory_space<vmem>> -> memref<130x128xf32, #tpu.memory_space<vmem>>
    tpu.wait_dma2 semaphore(%arg12 : memref<!tpu.dma_semaphore, #tpu.memory_space<semaphore_mem>>) src(%dma_wait3A_313 : memref<130x128xf32, #tpu.memory_space<vmem>>) dst(%dma_wait3A_310 : memref<130x128xf32, #tpu.memory_space<hbm>>)
    %dma_wait3A_314 = arith.constant 1 : i32
    %dma_wait3A_315 = arith.constant 1 : i32
    %dma_wait3A_316 = arith.constant 0 : i32
    %dma_wait3A_317 = arith.constant 0 : i32
    %dma_wait3A_318 = tpu.memref_slice %arg7[%dma_wait3A_316, %dma_wait3A_317] : memref<130x128xf32, #tpu.memory_space<vmem>> -> memref<130x128xf32, #tpu.memory_space<vmem>>
    %dma_wait3A_319 = arith.constant 0 : i32
    %dma_wait3A_320 = tpu.memref_slice %arg3[%dma_wait3A_314, %add3A_146, %dma_wait3A_315, %dma_wait3A_319] : memref<2x12500x2x128xf32, #tpu.memory_space<hbm>> -> memref<1x130x1x128xf32, #tpu.memory_space<hbm>>
    %dma_wait3A_321 = tpu.memref_squeeze %dma_wait3A_320 : memref<1x130x1x128xf32, #tpu.memory_space<hbm>> -> memref<130x128xf32, #tpu.memory_space<hbm>>
    %dma_wait3A_322 = arith.constant 0 : i32
    %dma_wait3A_323 = tpu.memref_slice %arg3[%dma_wait3A_314, %add3A_146, %dma_wait3A_315, %dma_wait3A_322] : memref<2x12500x2x128xf32, #tpu.memory_space<hbm>> -> memref<1x130x1x128xf32, #tpu.memory_space<hbm>>
    %dma_wait3A_324 = tpu.memref_squeeze %dma_wait3A_323 : memref<1x130x1x128xf32, #tpu.memory_space<hbm>> -> memref<130x128xf32, #tpu.memory_space<hbm>>
    %dma_wait3A_325 = arith.constant 0 : i32
    %dma_wait3A_326 = arith.constant 0 : i32
    %dma_wait3A_327 = tpu.memref_slice %arg7[%dma_wait3A_325, %dma_wait3A_326] : memref<130x128xf32, #tpu.memory_space<vmem>> -> memref<130x128xf32, #tpu.memory_space<vmem>>
    tpu.wait_dma2 semaphore(%arg12 : memref<!tpu.dma_semaphore, #tpu.memory_space<semaphore_mem>>) src(%dma_wait3A_327 : memref<130x128xf32, #tpu.memory_space<vmem>>) dst(%dma_wait3A_324 : memref<130x128xf32, #tpu.memory_space<hbm>>)
    %dma_wait3A_328 = arith.constant 0 : i32
    %dma_wait3A_329 = arith.constant 1 : i32
    %dma_wait3A_330 = arith.constant 0 : i32
    %dma_wait3A_331 = arith.constant 0 : i32
    %dma_wait3A_332 = tpu.memref_slice %arg8[%dma_wait3A_330, %dma_wait3A_331] : memref<130x128xf32, #tpu.memory_space<vmem>> -> memref<130x128xf32, #tpu.memory_space<vmem>>
    %dma_wait3A_333 = arith.constant 0 : i32
    %dma_wait3A_334 = tpu.memref_slice %arg3[%dma_wait3A_328, %add3A_29, %dma_wait3A_329, %dma_wait3A_333] : memref<2x12500x2x128xf32, #tpu.memory_space<hbm>> -> memref<1x130x1x128xf32, #tpu.memory_space<hbm>>
    %dma_wait3A_335 = tpu.memref_squeeze %dma_wait3A_334 : memref<1x130x1x128xf32, #tpu.memory_space<hbm>> -> memref<130x128xf32, #tpu.memory_space<hbm>>
    %dma_wait3A_336 = arith.constant 0 : i32
    %dma_wait3A_337 = tpu.memref_slice %arg3[%dma_wait3A_328, %add3A_29, %dma_wait3A_329, %dma_wait3A_336] : memref<2x12500x2x128xf32, #tpu.memory_space<hbm>> -> memref<1x130x1x128xf32, #tpu.memory_space<hbm>>
    %dma_wait3A_338 = tpu.memref_squeeze %dma_wait3A_337 : memref<1x130x1x128xf32, #tpu.memory_space<hbm>> -> memref<130x128xf32, #tpu.memory_space<hbm>>
    %dma_wait3A_339 = arith.constant 0 : i32
    %dma_wait3A_340 = arith.constant 0 : i32
    %dma_wait3A_341 = tpu.memref_slice %arg8[%dma_wait3A_339, %dma_wait3A_340] : memref<130x128xf32, #tpu.memory_space<vmem>> -> memref<130x128xf32, #tpu.memory_space<vmem>>
    tpu.wait_dma2 semaphore(%arg13 : memref<!tpu.dma_semaphore, #tpu.memory_space<semaphore_mem>>) src(%dma_wait3A_341 : memref<130x128xf32, #tpu.memory_space<vmem>>) dst(%dma_wait3A_338 : memref<130x128xf32, #tpu.memory_space<hbm>>)
    %dma_wait3A_342 = arith.constant 1 : i32
    %dma_wait3A_343 = arith.constant 0 : i32
    %dma_wait3A_344 = arith.constant 0 : i32
    %dma_wait3A_345 = arith.constant 0 : i32
    %dma_wait3A_346 = tpu.memref_slice %arg8[%dma_wait3A_344, %dma_wait3A_345] : memref<130x128xf32, #tpu.memory_space<vmem>> -> memref<130x128xf32, #tpu.memory_space<vmem>>
    %dma_wait3A_347 = arith.constant 0 : i32
    %dma_wait3A_348 = tpu.memref_slice %arg3[%dma_wait3A_342, %add3A_29, %dma_wait3A_343, %dma_wait3A_347] : memref<2x12500x2x128xf32, #tpu.memory_space<hbm>> -> memref<1x130x1x128xf32, #tpu.memory_space<hbm>>
    %dma_wait3A_349 = tpu.memref_squeeze %dma_wait3A_348 : memref<1x130x1x128xf32, #tpu.memory_space<hbm>> -> memref<130x128xf32, #tpu.memory_space<hbm>>
    %dma_wait3A_350 = arith.constant 0 : i32
    %dma_wait3A_351 = tpu.memref_slice %arg3[%dma_wait3A_342, %add3A_29, %dma_wait3A_343, %dma_wait3A_350] : memref<2x12500x2x128xf32, #tpu.memory_space<hbm>> -> memref<1x130x1x128xf32, #tpu.memory_space<hbm>>
    %dma_wait3A_352 = tpu.memref_squeeze %dma_wait3A_351 : memref<1x130x1x128xf32, #tpu.memory_space<hbm>> -> memref<130x128xf32, #tpu.memory_space<hbm>>
    %dma_wait3A_353 = arith.constant 0 : i32
    %dma_wait3A_354 = arith.constant 0 : i32
    %dma_wait3A_355 = tpu.memref_slice %arg8[%dma_wait3A_353, %dma_wait3A_354] : memref<130x128xf32, #tpu.memory_space<vmem>> -> memref<130x128xf32, #tpu.memory_space<vmem>>
    tpu.wait_dma2 semaphore(%arg13 : memref<!tpu.dma_semaphore, #tpu.memory_space<semaphore_mem>>) src(%dma_wait3A_355 : memref<130x128xf32, #tpu.memory_space<vmem>>) dst(%dma_wait3A_352 : memref<130x128xf32, #tpu.memory_space<hbm>>)
    %dma_wait3A_356 = arith.constant 0 : i32
    %dma_wait3A_357 = arith.constant 1 : i32
    %dma_wait3A_358 = arith.constant 0 : i32
    %dma_wait3A_359 = arith.constant 0 : i32
    %dma_wait3A_360 = tpu.memref_slice %arg8[%dma_wait3A_358, %dma_wait3A_359] : memref<130x128xf32, #tpu.memory_space<vmem>> -> memref<130x128xf32, #tpu.memory_space<vmem>>
    %dma_wait3A_361 = arith.constant 0 : i32
    %dma_wait3A_362 = tpu.memref_slice %arg3[%dma_wait3A_356, %add3A_107, %dma_wait3A_357, %dma_wait3A_361] : memref<2x12500x2x128xf32, #tpu.memory_space<hbm>> -> memref<1x130x1x128xf32, #tpu.memory_space<hbm>>
    %dma_wait3A_363 = tpu.memref_squeeze %dma_wait3A_362 : memref<1x130x1x128xf32, #tpu.memory_space<hbm>> -> memref<130x128xf32, #tpu.memory_space<hbm>>
    %dma_wait3A_364 = arith.constant 0 : i32
    %dma_wait3A_365 = tpu.memref_slice %arg3[%dma_wait3A_356, %add3A_107, %dma_wait3A_357, %dma_wait3A_364] : memref<2x12500x2x128xf32, #tpu.memory_space<hbm>> -> memref<1x130x1x128xf32, #tpu.memory_space<hbm>>
    %dma_wait3A_366 = tpu.memref_squeeze %dma_wait3A_365 : memref<1x130x1x128xf32, #tpu.memory_space<hbm>> -> memref<130x128xf32, #tpu.memory_space<hbm>>
    %dma_wait3A_367 = arith.constant 0 : i32
    %dma_wait3A_368 = arith.constant 0 : i32
    %dma_wait3A_369 = tpu.memref_slice %arg8[%dma_wait3A_367, %dma_wait3A_368] : memref<130x128xf32, #tpu.memory_space<vmem>> -> memref<130x128xf32, #tpu.memory_space<vmem>>
    tpu.wait_dma2 semaphore(%arg13 : memref<!tpu.dma_semaphore, #tpu.memory_space<semaphore_mem>>) src(%dma_wait3A_369 : memref<130x128xf32, #tpu.memory_space<vmem>>) dst(%dma_wait3A_366 : memref<130x128xf32, #tpu.memory_space<hbm>>)
    %dma_wait3A_370 = arith.constant 1 : i32
    %dma_wait3A_371 = arith.constant 0 : i32
    %dma_wait3A_372 = arith.constant 0 : i32
    %dma_wait3A_373 = arith.constant 0 : i32
    %dma_wait3A_374 = tpu.memref_slice %arg8[%dma_wait3A_372, %dma_wait3A_373] : memref<130x128xf32, #tpu.memory_space<vmem>> -> memref<130x128xf32, #tpu.memory_space<vmem>>
    %dma_wait3A_375 = arith.constant 0 : i32
    %dma_wait3A_376 = tpu.memref_slice %arg3[%dma_wait3A_370, %add3A_107, %dma_wait3A_371, %dma_wait3A_375] : memref<2x12500x2x128xf32, #tpu.memory_space<hbm>> -> memref<1x130x1x128xf32, #tpu.memory_space<hbm>>
    %dma_wait3A_377 = tpu.memref_squeeze %dma_wait3A_376 : memref<1x130x1x128xf32, #tpu.memory_space<hbm>> -> memref<130x128xf32, #tpu.memory_space<hbm>>
    %dma_wait3A_378 = arith.constant 0 : i32
    %dma_wait3A_379 = tpu.memref_slice %arg3[%dma_wait3A_370, %add3A_107, %dma_wait3A_371, %dma_wait3A_378] : memref<2x12500x2x128xf32, #tpu.memory_space<hbm>> -> memref<1x130x1x128xf32, #tpu.memory_space<hbm>>
    %dma_wait3A_380 = tpu.memref_squeeze %dma_wait3A_379 : memref<1x130x1x128xf32, #tpu.memory_space<hbm>> -> memref<130x128xf32, #tpu.memory_space<hbm>>
    %dma_wait3A_381 = arith.constant 0 : i32
    %dma_wait3A_382 = arith.constant 0 : i32
    %dma_wait3A_383 = tpu.memref_slice %arg8[%dma_wait3A_381, %dma_wait3A_382] : memref<130x128xf32, #tpu.memory_space<vmem>> -> memref<130x128xf32, #tpu.memory_space<vmem>>
    tpu.wait_dma2 semaphore(%arg13 : memref<!tpu.dma_semaphore, #tpu.memory_space<semaphore_mem>>) src(%dma_wait3A_383 : memref<130x128xf32, #tpu.memory_space<vmem>>) dst(%dma_wait3A_380 : memref<130x128xf32, #tpu.memory_space<hbm>>)
    %dma_wait3A_384 = arith.constant 0 : i32
    %dma_wait3A_385 = arith.constant 1 : i32
    %dma_wait3A_386 = arith.constant 0 : i32
    %dma_wait3A_387 = arith.constant 0 : i32
    %dma_wait3A_388 = tpu.memref_slice %arg8[%dma_wait3A_386, %dma_wait3A_387] : memref<130x128xf32, #tpu.memory_space<vmem>> -> memref<130x128xf32, #tpu.memory_space<vmem>>
    %dma_wait3A_389 = arith.constant 0 : i32
    %dma_wait3A_390 = tpu.memref_slice %arg3[%dma_wait3A_384, %add3A_176, %dma_wait3A_385, %dma_wait3A_389] : memref<2x12500x2x128xf32, #tpu.memory_space<hbm>> -> memref<1x130x1x128xf32, #tpu.memory_space<hbm>>
    %dma_wait3A_391 = tpu.memref_squeeze %dma_wait3A_390 : memref<1x130x1x128xf32, #tpu.memory_space<hbm>> -> memref<130x128xf32, #tpu.memory_space<hbm>>
    %dma_wait3A_392 = arith.constant 0 : i32
    %dma_wait3A_393 = tpu.memref_slice %arg3[%dma_wait3A_384, %add3A_176, %dma_wait3A_385, %dma_wait3A_392] : memref<2x12500x2x128xf32, #tpu.memory_space<hbm>> -> memref<1x130x1x128xf32, #tpu.memory_space<hbm>>
    %dma_wait3A_394 = tpu.memref_squeeze %dma_wait3A_393 : memref<1x130x1x128xf32, #tpu.memory_space<hbm>> -> memref<130x128xf32, #tpu.memory_space<hbm>>
    %dma_wait3A_395 = arith.constant 0 : i32
    %dma_wait3A_396 = arith.constant 0 : i32
    %dma_wait3A_397 = tpu.memref_slice %arg8[%dma_wait3A_395, %dma_wait3A_396] : memref<130x128xf32, #tpu.memory_space<vmem>> -> memref<130x128xf32, #tpu.memory_space<vmem>>
    tpu.wait_dma2 semaphore(%arg13 : memref<!tpu.dma_semaphore, #tpu.memory_space<semaphore_mem>>) src(%dma_wait3A_397 : memref<130x128xf32, #tpu.memory_space<vmem>>) dst(%dma_wait3A_394 : memref<130x128xf32, #tpu.memory_space<hbm>>)
    %dma_wait3A_398 = arith.constant 1 : i32
    %dma_wait3A_399 = arith.constant 0 : i32
    %dma_wait3A_400 = arith.constant 0 : i32
    %dma_wait3A_401 = arith.constant 0 : i32
    %dma_wait3A_402 = tpu.memref_slice %arg8[%dma_wait3A_400, %dma_wait3A_401] : memref<130x128xf32, #tpu.memory_space<vmem>> -> memref<130x128xf32, #tpu.memory_space<vmem>>
    %dma_wait3A_403 = arith.constant 0 : i32
    %dma_wait3A_404 = tpu.memref_slice %arg3[%dma_wait3A_398, %add3A_176, %dma_wait3A_399, %dma_wait3A_403] : memref<2x12500x2x128xf32, #tpu.memory_space<hbm>> -> memref<1x130x1x128xf32, #tpu.memory_space<hbm>>
    %dma_wait3A_405 = tpu.memref_squeeze %dma_wait3A_404 : memref<1x130x1x128xf32, #tpu.memory_space<hbm>> -> memref<130x128xf32, #tpu.memory_space<hbm>>
    %dma_wait3A_406 = arith.constant 0 : i32
    %dma_wait3A_407 = tpu.memref_slice %arg3[%dma_wait3A_398, %add3A_176, %dma_wait3A_399, %dma_wait3A_406] : memref<2x12500x2x128xf32, #tpu.memory_space<hbm>> -> memref<1x130x1x128xf32, #tpu.memory_space<hbm>>
    %dma_wait3A_408 = tpu.memref_squeeze %dma_wait3A_407 : memref<1x130x1x128xf32, #tpu.memory_space<hbm>> -> memref<130x128xf32, #tpu.memory_space<hbm>>
    %dma_wait3A_409 = arith.constant 0 : i32
    %dma_wait3A_410 = arith.constant 0 : i32
    %dma_wait3A_411 = tpu.memref_slice %arg8[%dma_wait3A_409, %dma_wait3A_410] : memref<130x128xf32, #tpu.memory_space<vmem>> -> memref<130x128xf32, #tpu.memory_space<vmem>>
    tpu.wait_dma2 semaphore(%arg13 : memref<!tpu.dma_semaphore, #tpu.memory_space<semaphore_mem>>) src(%dma_wait3A_411 : memref<130x128xf32, #tpu.memory_space<vmem>>) dst(%dma_wait3A_408 : memref<130x128xf32, #tpu.memory_space<hbm>>)
    %convert_element_type3A = arith.extui %lt3A_8 : i1 to i32
    %cond3A = arith.constant 0 : i32
    %cond3A_412 = arith.cmpi ne, %convert_element_type3A, %cond3A : i32
    scf.if %cond3A_412 {
      %mul3A_413 = arith.constant 128 : i32
      %mul3A_414 = arith.muli %add3A_10, %mul3A_413 : i32
      %dma_start3A_415 = arith.constant 0 : i32
      %dma_start3A_416 = tpu.memref_slice %arg4[%dma_start3A_415] : memref<16640xf32, #tpu.memory_space<vmem>> -> memref<128xf32, #tpu.memory_space<vmem>>
      %dma_start3A_417 = tpu.memref_slice %arg2[%mul3A_414] : memref<1600000xf32, #tpu.memory_space<hbm>> -> memref<128xf32, #tpu.memory_space<hbm>>
      %dma_start3A_418 = arith.constant 0 : i32
      %dma_start3A_419 = tpu.memref_slice %arg4[%dma_start3A_418] : memref<16640xf32, #tpu.memory_space<vmem>> -> memref<128xf32, #tpu.memory_space<vmem>>
      %dma_start3A_420 = tpu.memref_slice %arg2[%mul3A_414] : memref<1600000xf32, #tpu.memory_space<hbm>> -> memref<128xf32, #tpu.memory_space<hbm>>
      tpu.enqueue_dma source(%dma_start3A_420 : memref<128xf32, #tpu.memory_space<hbm>>) target(%dma_start3A_419 : memref<128xf32, #tpu.memory_space<vmem>>) target_semaphore(%arg9 : memref<!tpu.dma_semaphore, #tpu.memory_space<semaphore_mem>>)
      %dma_wait3A_421 = arith.constant 0 : i32
      %dma_wait3A_422 = tpu.memref_slice %arg4[%dma_wait3A_421] : memref<16640xf32, #tpu.memory_space<vmem>> -> memref<128xf32, #tpu.memory_space<vmem>>
      %dma_wait3A_423 = tpu.memref_slice %arg2[%mul3A_414] : memref<1600000xf32, #tpu.memory_space<hbm>> -> memref<128xf32, #tpu.memory_space<hbm>>
      %dma_wait3A_424 = arith.constant 0 : i32
      %dma_wait3A_425 = tpu.memref_slice %arg4[%dma_wait3A_424] : memref<16640xf32, #tpu.memory_space<vmem>> -> memref<128xf32, #tpu.memory_space<vmem>>
      %dma_wait3A_426 = tpu.memref_slice %arg2[%mul3A_414] : memref<1600000xf32, #tpu.memory_space<hbm>> -> memref<128xf32, #tpu.memory_space<hbm>>
      tpu.wait_dma2 semaphore(%arg9 : memref<!tpu.dma_semaphore, #tpu.memory_space<semaphore_mem>>) src(%dma_wait3A_426 : memref<128xf32, #tpu.memory_space<hbm>>) dst(%dma_wait3A_425 : memref<128xf32, #tpu.memory_space<vmem>>)
      %parallel_loop3A_427 = arith.constant 0 : i32
      %parallel_loop3A_428 = arith.constant 8 : i32
      %parallel_loop3A_429 = arith.constant 1 : i32
      scf.for %parallel_loop3A_542 = %parallel_loop3A_427 to %parallel_loop3A_428 step %parallel_loop3A_429  : i32 {
        %parallel_loop3A_543 = arith.constant 16 : i32
        %parallel_loop3A_544 = arith.muli %parallel_loop3A_542, %parallel_loop3A_543 : i32
        %parallel_loop3A_545 = arith.index_cast %parallel_loop3A_544 : i32 to index
        %parallel_loop3A_546 = tpu.vector_load %arg4[%parallel_loop3A_545] {strides = array<i32>} : memref<16640xf32, #tpu.memory_space<vmem>>, vector<16xf32>,
        %parallel_loop3A_547 = arith.constant 8 : i32
        %parallel_loop3A_548 = arith.divsi %parallel_loop3A_542, %parallel_loop3A_547 : i32
        %parallel_loop3A_549 = arith.constant 0 : i32
        %parallel_loop3A_550 = arith.cmpi sgt, %parallel_loop3A_542, %parallel_loop3A_549 : i32
        %parallel_loop3A_551 = arith.extui %parallel_loop3A_550 : i1 to i32
        %parallel_loop3A_552 = arith.constant 0 : i32
        %parallel_loop3A_553 = arith.cmpi slt, %parallel_loop3A_542, %parallel_loop3A_552 : i32
        %parallel_loop3A_554 = arith.extui %parallel_loop3A_553 : i1 to i32
        %parallel_loop3A_555 = arith.subi %parallel_loop3A_551, %parallel_loop3A_554 : i32
        %parallel_loop3A_556 = arith.constant 0 : i32
        %parallel_loop3A_557 = arith.cmpi sgt, %parallel_loop3A_547, %parallel_loop3A_556 : i32
        %parallel_loop3A_558 = arith.extui %parallel_loop3A_557 : i1 to i32
        %parallel_loop3A_559 = arith.constant 0 : i32
        %parallel_loop3A_560 = arith.cmpi slt, %parallel_loop3A_547, %parallel_loop3A_559 : i32
        %parallel_loop3A_561 = arith.extui %parallel_loop3A_560 : i1 to i32
        %parallel_loop3A_562 = arith.subi %parallel_loop3A_558, %parallel_loop3A_561 : i32
        %parallel_loop3A_563 = arith.cmpi ne, %parallel_loop3A_555, %parallel_loop3A_562 : i32
        %parallel_loop3A_564 = arith.remsi %parallel_loop3A_542, %parallel_loop3A_547 : i32
        %parallel_loop3A_565 = arith.constant 0 : i32
        %parallel_loop3A_566 = arith.cmpi ne, %parallel_loop3A_564, %parallel_loop3A_565 : i32
        %parallel_loop3A_567 = arith.andi %parallel_loop3A_563, %parallel_loop3A_566 : i1
        %parallel_loop3A_568 = arith.constant 1 : i32
        %parallel_loop3A_569 = arith.subi %parallel_loop3A_548, %parallel_loop3A_568 : i32
        %parallel_loop3A_570 = arith.select %parallel_loop3A_567, %parallel_loop3A_569, %parallel_loop3A_548 : i32
        %parallel_loop3A_571 = arith.constant 8 : i32
        %parallel_loop3A_572 = arith.constant 0 : i32
        %parallel_loop3A_573 = arith.cmpi eq, %parallel_loop3A_571, %parallel_loop3A_572 : i32
        %parallel_loop3A_574 = arith.constant 1 : i32
        %parallel_loop3A_575 = arith.select %parallel_loop3A_573, %parallel_loop3A_574, %parallel_loop3A_571 : i32
        %parallel_loop3A_576 = arith.remsi %parallel_loop3A_542, %parallel_loop3A_575 : i32
        %parallel_loop3A_577 = arith.constant 0 : i32
        %parallel_loop3A_578 = arith.cmpi ne, %parallel_loop3A_576, %parallel_loop3A_577 : i32
        %parallel_loop3A_579 = arith.constant 0 : i32
        %parallel_loop3A_580 = arith.cmpi slt, %parallel_loop3A_576, %parallel_loop3A_579 : i32
        %parallel_loop3A_581 = arith.constant 0 : i32
        %parallel_loop3A_582 = arith.cmpi slt, %parallel_loop3A_575, %parallel_loop3A_581 : i32
        %parallel_loop3A_583 = arith.xori %parallel_loop3A_580, %parallel_loop3A_582 : i1
        %parallel_loop3A_584 = arith.andi %parallel_loop3A_583, %parallel_loop3A_578 : i1
        %parallel_loop3A_585 = arith.addi %parallel_loop3A_576, %parallel_loop3A_575 : i32
        %parallel_loop3A_586 = arith.select %parallel_loop3A_584, %parallel_loop3A_585, %parallel_loop3A_576 : i32
        %parallel_loop3A_587 = arith.constant 16 : i32
        %parallel_loop3A_588 = arith.muli %parallel_loop3A_586, %parallel_loop3A_587 : i32
        %parallel_loop3A_589 = arith.constant 2.000000e+00 : f32
        %parallel_loop3A_590 = vector.broadcast %parallel_loop3A_589 : f32 to vector<16xf32>
        %parallel_loop3A_591 = arith.mulf %parallel_loop3A_590, %parallel_loop3A_546 : vector<16xf32>
        %parallel_loop3A_592 = math.exp %parallel_loop3A_591 : vector<16xf32>
        %parallel_loop3A_593 = arith.index_cast %parallel_loop3A_570 : i32 to index
        %parallel_loop3A_594 = arith.index_cast %parallel_loop3A_588 : i32 to index
        %parallel_loop3A_595 = tpu.vector_load %arg6[%parallel_loop3A_593, %parallel_loop3A_594] {strides = array<i32>} : memref<130x128xf32, #tpu.memory_space<vmem>>, vector<16xf32>,
        tpu.vector_store %arg6[%parallel_loop3A_593, %parallel_loop3A_594], %parallel_loop3A_592 {strides = array<i32>} : memref<130x128xf32, #tpu.memory_space<vmem>>, vector<16xf32>,
      } {sc.loop_unroll_factor = 8 : i64, sc.parallel_access}
      %dma_start3A_430 = arith.constant 0 : i32
      %dma_start3A_431 = arith.constant 1 : i32
      %dma_start3A_432 = arith.constant 0 : i32
      %dma_start3A_433 = arith.constant 0 : i32
      %dma_start3A_434 = tpu.memref_slice %arg8[%dma_start3A_432, %dma_start3A_433] : memref<130x128xf32, #tpu.memory_space<vmem>> -> memref<1x128xf32, #tpu.memory_space<vmem>>
      %dma_start3A_435 = arith.constant 0 : i32
      %dma_start3A_436 = tpu.memref_slice %arg3[%dma_start3A_430, %add3A_10, %dma_start3A_431, %dma_start3A_435] : memref<2x12500x2x128xf32, #tpu.memory_space<hbm>> -> memref<1x1x1x128xf32, #tpu.memory_space<hbm>>
      %dma_start3A_437 = tpu.memref_squeeze %dma_start3A_436 : memref<1x1x1x128xf32, #tpu.memory_space<hbm>> -> memref<1x128xf32, #tpu.memory_space<hbm>>
      %dma_start3A_438 = arith.constant 0 : i32
      %dma_start3A_439 = tpu.memref_slice %arg3[%dma_start3A_430, %add3A_10, %dma_start3A_431, %dma_start3A_438] : memref<2x12500x2x128xf32, #tpu.memory_space<hbm>> -> memref<1x1x1x128xf32, #tpu.memory_space<hbm>>
      %dma_start3A_440 = tpu.memref_squeeze %dma_start3A_439 : memref<1x1x1x128xf32, #tpu.memory_space<hbm>> -> memref<1x128xf32, #tpu.memory_space<hbm>>
      %dma_start3A_441 = arith.constant 0 : i32
      %dma_start3A_442 = arith.constant 0 : i32
      %dma_start3A_443 = tpu.memref_slice %arg8[%dma_start3A_441, %dma_start3A_442] : memref<130x128xf32, #tpu.memory_space<vmem>> -> memref<1x128xf32, #tpu.memory_space<vmem>>
      tpu.enqueue_dma source(%dma_start3A_443 : memref<1x128xf32, #tpu.memory_space<vmem>>) target(%dma_start3A_440 : memref<1x128xf32, #tpu.memory_space<hbm>>) target_semaphore(%arg13 : memref<!tpu.dma_semaphore, #tpu.memory_space<semaphore_mem>>)
      %dma_start3A_444 = arith.constant 1 : i32
      %dma_start3A_445 = arith.constant 0 : i32
      %dma_start3A_446 = arith.constant 0 : i32
      %dma_start3A_447 = arith.constant 0 : i32
      %dma_start3A_448 = tpu.memref_slice %arg8[%dma_start3A_446, %dma_start3A_447] : memref<130x128xf32, #tpu.memory_space<vmem>> -> memref<1x128xf32, #tpu.memory_space<vmem>>
      %dma_start3A_449 = arith.constant 0 : i32
      %dma_start3A_450 = tpu.memref_slice %arg3[%dma_start3A_444, %add3A_10, %dma_start3A_445, %dma_start3A_449] : memref<2x12500x2x128xf32, #tpu.memory_space<hbm>> -> memref<1x1x1x128xf32, #tpu.memory_space<hbm>>
      %dma_start3A_451 = tpu.memref_squeeze %dma_start3A_450 : memref<1x1x1x128xf32, #tpu.memory_space<hbm>> -> memref<1x128xf32, #tpu.memory_space<hbm>>
      %dma_start3A_452 = arith.constant 0 : i32
      %dma_start3A_453 = tpu.memref_slice %arg3[%dma_start3A_444, %add3A_10, %dma_start3A_445, %dma_start3A_452] : memref<2x12500x2x128xf32, #tpu.memory_space<hbm>> -> memref<1x1x1x128xf32, #tpu.memory_space<hbm>>
      %dma_start3A_454 = tpu.memref_squeeze %dma_start3A_453 : memref<1x1x1x128xf32, #tpu.memory_space<hbm>> -> memref<1x128xf32, #tpu.memory_space<hbm>>
      %dma_start3A_455 = arith.constant 0 : i32
      %dma_start3A_456 = arith.constant 0 : i32
      %dma_start3A_457 = tpu.memref_slice %arg8[%dma_start3A_455, %dma_start3A_456] : memref<130x128xf32, #tpu.memory_space<vmem>> -> memref<1x128xf32, #tpu.memory_space<vmem>>
      tpu.enqueue_dma source(%dma_start3A_457 : memref<1x128xf32, #tpu.memory_space<vmem>>) target(%dma_start3A_454 : memref<1x128xf32, #tpu.memory_space<hbm>>) target_semaphore(%arg13 : memref<!tpu.dma_semaphore, #tpu.memory_space<semaphore_mem>>)
      %dma_wait3A_458 = arith.constant 0 : i32
      %dma_wait3A_459 = arith.constant 1 : i32
      %dma_wait3A_460 = arith.constant 0 : i32
      %dma_wait3A_461 = arith.constant 0 : i32
      %dma_wait3A_462 = tpu.memref_slice %arg8[%dma_wait3A_460, %dma_wait3A_461] : memref<130x128xf32, #tpu.memory_space<vmem>> -> memref<1x128xf32, #tpu.memory_space<vmem>>
      %dma_wait3A_463 = arith.constant 0 : i32
      %dma_wait3A_464 = tpu.memref_slice %arg3[%dma_wait3A_458, %add3A_10, %dma_wait3A_459, %dma_wait3A_463] : memref<2x12500x2x128xf32, #tpu.memory_space<hbm>> -> memref<1x1x1x128xf32, #tpu.memory_space<hbm>>
      %dma_wait3A_465 = tpu.memref_squeeze %dma_wait3A_464 : memref<1x1x1x128xf32, #tpu.memory_space<hbm>> -> memref<1x128xf32, #tpu.memory_space<hbm>>
      %dma_wait3A_466 = arith.constant 0 : i32
      %dma_wait3A_467 = tpu.memref_slice %arg3[%dma_wait3A_458, %add3A_10, %dma_wait3A_459, %dma_wait3A_466] : memref<2x12500x2x128xf32, #tpu.memory_space<hbm>> -> memref<1x1x1x128xf32, #tpu.memory_space<hbm>>
      %dma_wait3A_468 = tpu.memref_squeeze %dma_wait3A_467 : memref<1x1x1x128xf32, #tpu.memory_space<hbm>> -> memref<1x128xf32, #tpu.memory_space<hbm>>
      %dma_wait3A_469 = arith.constant 0 : i32
      %dma_wait3A_470 = arith.constant 0 : i32
      %dma_wait3A_471 = tpu.memref_slice %arg8[%dma_wait3A_469, %dma_wait3A_470] : memref<130x128xf32, #tpu.memory_space<vmem>> -> memref<1x128xf32, #tpu.memory_space<vmem>>
      tpu.wait_dma2 semaphore(%arg13 : memref<!tpu.dma_semaphore, #tpu.memory_space<semaphore_mem>>) src(%dma_wait3A_471 : memref<1x128xf32, #tpu.memory_space<vmem>>) dst(%dma_wait3A_468 : memref<1x128xf32, #tpu.memory_space<hbm>>)
      %dma_wait3A_472 = arith.constant 1 : i32
      %dma_wait3A_473 = arith.constant 0 : i32
      %dma_wait3A_474 = arith.constant 0 : i32
      %dma_wait3A_475 = arith.constant 0 : i32
      %dma_wait3A_476 = tpu.memref_slice %arg8[%dma_wait3A_474, %dma_wait3A_475] : memref<130x128xf32, #tpu.memory_space<vmem>> -> memref<1x128xf32, #tpu.memory_space<vmem>>
      %dma_wait3A_477 = arith.constant 0 : i32
      %dma_wait3A_478 = tpu.memref_slice %arg3[%dma_wait3A_472, %add3A_10, %dma_wait3A_473, %dma_wait3A_477] : memref<2x12500x2x128xf32, #tpu.memory_space<hbm>> -> memref<1x1x1x128xf32, #tpu.memory_space<hbm>>
      %dma_wait3A_479 = tpu.memref_squeeze %dma_wait3A_478 : memref<1x1x1x128xf32, #tpu.memory_space<hbm>> -> memref<1x128xf32, #tpu.memory_space<hbm>>
      %dma_wait3A_480 = arith.constant 0 : i32
      %dma_wait3A_481 = tpu.memref_slice %arg3[%dma_wait3A_472, %add3A_10, %dma_wait3A_473, %dma_wait3A_480] : memref<2x12500x2x128xf32, #tpu.memory_space<hbm>> -> memref<1x1x1x128xf32, #tpu.memory_space<hbm>>
      %dma_wait3A_482 = tpu.memref_squeeze %dma_wait3A_481 : memref<1x1x1x128xf32, #tpu.memory_space<hbm>> -> memref<1x128xf32, #tpu.memory_space<hbm>>
      %dma_wait3A_483 = arith.constant 0 : i32
      %dma_wait3A_484 = arith.constant 0 : i32
      %dma_wait3A_485 = tpu.memref_slice %arg8[%dma_wait3A_483, %dma_wait3A_484] : memref<130x128xf32, #tpu.memory_space<vmem>> -> memref<1x128xf32, #tpu.memory_space<vmem>>
      tpu.wait_dma2 semaphore(%arg13 : memref<!tpu.dma_semaphore, #tpu.memory_space<semaphore_mem>>) src(%dma_wait3A_485 : memref<1x128xf32, #tpu.memory_space<vmem>>) dst(%dma_wait3A_482 : memref<1x128xf32, #tpu.memory_space<hbm>>)
      %dma_start3A_486 = arith.constant 0 : i32
      %dma_start3A_487 = arith.constant 0 : i32
      %dma_start3A_488 = arith.constant 0 : i32
      %dma_start3A_489 = arith.constant 0 : i32
      %dma_start3A_490 = tpu.memref_slice %arg6[%dma_start3A_488, %dma_start3A_489] : memref<130x128xf32, #tpu.memory_space<vmem>> -> memref<1x128xf32, #tpu.memory_space<vmem>>
      %dma_start3A_491 = arith.constant 0 : i32
      %dma_start3A_492 = tpu.memref_slice %arg3[%dma_start3A_486, %add3A_10, %dma_start3A_487, %dma_start3A_491] : memref<2x12500x2x128xf32, #tpu.memory_space<hbm>> -> memref<1x1x1x128xf32, #tpu.memory_space<hbm>>
      %dma_start3A_493 = tpu.memref_squeeze %dma_start3A_492 : memref<1x1x1x128xf32, #tpu.memory_space<hbm>> -> memref<1x128xf32, #tpu.memory_space<hbm>>
      %dma_start3A_494 = arith.constant 0 : i32
      %dma_start3A_495 = tpu.memref_slice %arg3[%dma_start3A_486, %add3A_10, %dma_start3A_487, %dma_start3A_494] : memref<2x12500x2x128xf32, #tpu.memory_space<hbm>> -> memref<1x1x1x128xf32, #tpu.memory_space<hbm>>
      %dma_start3A_496 = tpu.memref_squeeze %dma_start3A_495 : memref<1x1x1x128xf32, #tpu.memory_space<hbm>> -> memref<1x128xf32, #tpu.memory_space<hbm>>
      %dma_start3A_497 = arith.constant 0 : i32
      %dma_start3A_498 = arith.constant 0 : i32
      %dma_start3A_499 = tpu.memref_slice %arg6[%dma_start3A_497, %dma_start3A_498] : memref<130x128xf32, #tpu.memory_space<vmem>> -> memref<1x128xf32, #tpu.memory_space<vmem>>
      tpu.enqueue_dma source(%dma_start3A_499 : memref<1x128xf32, #tpu.memory_space<vmem>>) target(%dma_start3A_496 : memref<1x128xf32, #tpu.memory_space<hbm>>) target_semaphore(%arg11 : memref<!tpu.dma_semaphore, #tpu.memory_space<semaphore_mem>>)
      %dma_start3A_500 = arith.constant 1 : i32
      %dma_start3A_501 = arith.constant 1 : i32
      %dma_start3A_502 = arith.constant 0 : i32
      %dma_start3A_503 = arith.constant 0 : i32
      %dma_start3A_504 = tpu.memref_slice %arg6[%dma_start3A_502, %dma_start3A_503] : memref<130x128xf32, #tpu.memory_space<vmem>> -> memref<1x128xf32, #tpu.memory_space<vmem>>
      %dma_start3A_505 = arith.constant 0 : i32
      %dma_start3A_506 = tpu.memref_slice %arg3[%dma_start3A_500, %add3A_10, %dma_start3A_501, %dma_start3A_505] : memref<2x12500x2x128xf32, #tpu.memory_space<hbm>> -> memref<1x1x1x128xf32, #tpu.memory_space<hbm>>
      %dma_start3A_507 = tpu.memref_squeeze %dma_start3A_506 : memref<1x1x1x128xf32, #tpu.memory_space<hbm>> -> memref<1x128xf32, #tpu.memory_space<hbm>>
      %dma_start3A_508 = arith.constant 0 : i32
      %dma_start3A_509 = tpu.memref_slice %arg3[%dma_start3A_500, %add3A_10, %dma_start3A_501, %dma_start3A_508] : memref<2x12500x2x128xf32, #tpu.memory_space<hbm>> -> memref<1x1x1x128xf32, #tpu.memory_space<hbm>>
      %dma_start3A_510 = tpu.memref_squeeze %dma_start3A_509 : memref<1x1x1x128xf32, #tpu.memory_space<hbm>> -> memref<1x128xf32, #tpu.memory_space<hbm>>
      %dma_start3A_511 = arith.constant 0 : i32
      %dma_start3A_512 = arith.constant 0 : i32
      %dma_start3A_513 = tpu.memref_slice %arg6[%dma_start3A_511, %dma_start3A_512] : memref<130x128xf32, #tpu.memory_space<vmem>> -> memref<1x128xf32, #tpu.memory_space<vmem>>
      tpu.enqueue_dma source(%dma_start3A_513 : memref<1x128xf32, #tpu.memory_space<vmem>>) target(%dma_start3A_510 : memref<1x128xf32, #tpu.memory_space<hbm>>) target_semaphore(%arg11 : memref<!tpu.dma_semaphore, #tpu.memory_space<semaphore_mem>>)
      %dma_wait3A_514 = arith.constant 0 : i32
      %dma_wait3A_515 = arith.constant 0 : i32
      %dma_wait3A_516 = arith.constant 0 : i32
      %dma_wait3A_517 = arith.constant 0 : i32
      %dma_wait3A_518 = tpu.memref_slice %arg6[%dma_wait3A_516, %dma_wait3A_517] : memref<130x128xf32, #tpu.memory_space<vmem>> -> memref<1x128xf32, #tpu.memory_space<vmem>>
      %dma_wait3A_519 = arith.constant 0 : i32
      %dma_wait3A_520 = tpu.memref_slice %arg3[%dma_wait3A_514, %add3A_10, %dma_wait3A_515, %dma_wait3A_519] : memref<2x12500x2x128xf32, #tpu.memory_space<hbm>> -> memref<1x1x1x128xf32, #tpu.memory_space<hbm>>
      %dma_wait3A_521 = tpu.memref_squeeze %dma_wait3A_520 : memref<1x1x1x128xf32, #tpu.memory_space<hbm>> -> memref<1x128xf32, #tpu.memory_space<hbm>>
      %dma_wait3A_522 = arith.constant 0 : i32
      %dma_wait3A_523 = tpu.memref_slice %arg3[%dma_wait3A_514, %add3A_10, %dma_wait3A_515, %dma_wait3A_522] : memref<2x12500x2x128xf32, #tpu.memory_space<hbm>> -> memref<1x1x1x128xf32, #tpu.memory_space<hbm>>
      %dma_wait3A_524 = tpu.memref_squeeze %dma_wait3A_523 : memref<1x1x1x128xf32, #tpu.memory_space<hbm>> -> memref<1x128xf32, #tpu.memory_space<hbm>>
      %dma_wait3A_525 = arith.constant 0 : i32
      %dma_wait3A_526 = arith.constant 0 : i32
      %dma_wait3A_527 = tpu.memref_slice %arg6[%dma_wait3A_525, %dma_wait3A_526] : memref<130x128xf32, #tpu.memory_space<vmem>> -> memref<1x128xf32, #tpu.memory_space<vmem>>
      tpu.wait_dma2 semaphore(%arg11 : memref<!tpu.dma_semaphore, #tpu.memory_space<semaphore_mem>>) src(%dma_wait3A_527 : memref<1x128xf32, #tpu.memory_space<vmem>>) dst(%dma_wait3A_524 : memref<1x128xf32, #tpu.memory_space<hbm>>)
      %dma_wait3A_528 = arith.constant 1 : i32
      %dma_wait3A_529 = arith.constant 1 : i32
      %dma_wait3A_530 = arith.constant 0 : i32
      %dma_wait3A_531 = arith.constant 0 : i32
      %dma_wait3A_532 = tpu.memref_slice %arg6[%dma_wait3A_530, %dma_wait3A_531] : memref<130x128xf32, #tpu.memory_space<vmem>> -> memref<1x128xf32, #tpu.memory_space<vmem>>
      %dma_wait3A_533 = arith.constant 0 : i32
      %dma_wait3A_534 = tpu.memref_slice %arg3[%dma_wait3A_528, %add3A_10, %dma_wait3A_529, %dma_wait3A_533] : memref<2x12500x2x128xf32, #tpu.memory_space<hbm>> -> memref<1x1x1x128xf32, #tpu.memory_space<hbm>>
      %dma_wait3A_535 = tpu.memref_squeeze %dma_wait3A_534 : memref<1x1x1x128xf32, #tpu.memory_space<hbm>> -> memref<1x128xf32, #tpu.memory_space<hbm>>
      %dma_wait3A_536 = arith.constant 0 : i32
      %dma_wait3A_537 = tpu.memref_slice %arg3[%dma_wait3A_528, %add3A_10, %dma_wait3A_529, %dma_wait3A_536] : memref<2x12500x2x128xf32, #tpu.memory_space<hbm>> -> memref<1x1x1x128xf32, #tpu.memory_space<hbm>>
      %dma_wait3A_538 = tpu.memref_squeeze %dma_wait3A_537 : memref<1x1x1x128xf32, #tpu.memory_space<hbm>> -> memref<1x128xf32, #tpu.memory_space<hbm>>
      %dma_wait3A_539 = arith.constant 0 : i32
      %dma_wait3A_540 = arith.constant 0 : i32
      %dma_wait3A_541 = tpu.memref_slice %arg6[%dma_wait3A_539, %dma_wait3A_540] : memref<130x128xf32, #tpu.memory_space<vmem>> -> memref<1x128xf32, #tpu.memory_space<vmem>>
      tpu.wait_dma2 semaphore(%arg11 : memref<!tpu.dma_semaphore, #tpu.memory_space<semaphore_mem>>) src(%dma_wait3A_541 : memref<1x128xf32, #tpu.memory_space<vmem>>) dst(%dma_wait3A_538 : memref<1x128xf32, #tpu.memory_space<hbm>>)
    } else {
    }
    return
  }
}

module attributes {stable_mosaic.version = 14 : i64} {
  func.func @_sig_body(%arg0: i32, %arg1: memref<204800xf32, #tpu.memory_space<vmem>>, %arg2: memref<204800xf32, #tpu.memory_space<vmem>>) attributes {dimension_semantics = [#tpu.dimension_semantics<arbitrary>], iteration_bounds = array<i64: 8>, scalar_prefetch = 0 : i64, scratch_operands = 0 : i64, tpu.core_type = #tpu.core_type<tc>, window_params = [{transform_indices = @transform_0, window_bounds = array<i64: 204800>}, {transform_indices = @transform_1, window_bounds = array<i64: 204800>}]} {
    %get3A = arith.constant 0 : index
    %get3A_0 = vector.load %arg1[%get3A] : memref<204800xf32, #tpu.memory_space<vmem>>, vector<204800xf32>
    %mul3A = arith.constant 2.000000e+00 : f32
    %mul3A_1 = vector.broadcast %mul3A : f32 to vector<204800xf32>
    %mul3A_2 = arith.mulf %mul3A_1, %get3A_0 : vector<204800xf32>
    %logistic3A = arith.negf %mul3A_2 : vector<204800xf32>
    %logistic3A_3 = math.exp %logistic3A : vector<204800xf32>
    %logistic3A_4 = arith.constant 1.000000e+00 : f32
    %logistic3A_5 = vector.broadcast %logistic3A_4 : f32 to vector<204800xf32>
    %logistic3A_6 = arith.addf %logistic3A_5, %logistic3A_3 : vector<204800xf32>
    %logistic3A_7 = arith.divf %logistic3A_5, %logistic3A_6 : vector<204800xf32>
    %swap3A = arith.constant 0 : index
    %swap3A_8 = vector.load %arg2[%swap3A] : memref<204800xf32, #tpu.memory_space<vmem>>, vector<204800xf32>
    tpu.vector_store %arg2[%swap3A], %logistic3A_7 {strides = array<i32>} : memref<204800xf32, #tpu.memory_space<vmem>>, vector<204800xf32>,
    return
  }
  func.func @transform_0(%arg0: i32) -> i32 {
    %c0_i32 = arith.constant 0 : i32
    return %arg0 : i32
  }
  func.func @transform_1(%arg0: i32) -> i32 {
    %c0_i32 = arith.constant 0 : i32
    return %arg0 : i32
  }
}

</mosaic_0001>

<sc_bundles>
// kernel: kernel.4.cloned.1.call-start
scs
__scs_entry_jumppad:
0x0: {  	(pc) =	sbr.rel $0x88, $3  }
0x1: {  	(tag) =	ssettag $0x0;
	lr =	simm.s32 $0x1  }
0x2: {  	[smem:$0x3FA0] =	sst lr;
	_ =	strace $0xD0000000  }
0x3: {  	_ = 	snop  }
0x4: {  	_ = 	snop  }
0x5: {  	_ = 	snop  }
0x6: {  	_ = 	snop  }
0x7: {  	_ = 	snop  }
__scs_overlays_trampoline_lowered:
0x8: {  	[smem:$0x3FAF] =	sst s0  }
0x9: {  	[smem:$0x3FB0] =	sst s1  }
0xa: {  	[smem:$0x3FB1] =	sst s2  }
0xb: {  	[smem:$0x3FB2] =	sst s3  }
0xc: {  	[smem:$0x3FB3] =	sst s4  }
0xd: {  	[smem:$0x3FB4] =	sst s5  }
0xe: {  	[smem:$0x3FB5] =	sst s6  }
0xf: {  	[smem:$0x3FB6] =	sst s7  }
0x10: {  	[smem:$0x3FB7] =	sst s8  }
0x11: {  	[smem:$0x3FB8] =	sst s9;
	s0 =	simm.s32 @!p0 $0x0  }
0x12: {  	s1 =	sld [smem:$0x3F9E];
	s0 =	simm.s32 @p0 $0x1  }
0x13: {  	[smem:$0x3FB9] =	sst s0;
	s0 =	simm.s32 @!p1 $0x0  }
0x14: {  	s2 =	sld [smem:$0x3F9D];
	s0 =	simm.s32 @p1 $0x1  }
0x15: {  	[smem:$0x3FBA] =	sst s0;
	s0 =	simm.s32 @!p2 $0x0  }
0x16: {  	s3 =	sld [smem:$0x3FDB];
	s0 =	simm.s32 @p2 $0x1  }
0x17: {  	s4 =	simm.s32 $0x1BF5;
	[smem:$0x3FBC] =	sst s0  }
0x18: {  	s0 =	sld [smem:$0x3F9F];
	_ =	swait.ge [sflag:s4], $0x0  }
0x19: {  	s7 =	sld [smem:$0x3FA0]  }
0x1a: {  	s8 =	sadd.s32 $0xFFFFE003, lr  }
0x1b: {  	s9 =	sadd.s32 $0xFFFFFEF7, lr;
	s5 =	simm.s32 $0xFFFFFFFF;
	p2 =	slt.u32 s8, $0xFFFFF086  }
0x1c: {  	p1 =	slt.u32 s9, $0xF7A;
	s5 =	simm.s32 @!p2 $0x0  }
0x1d: {  	s5 =	simm.s32 @p1 $0x1;
	p0 =	seq.s32 s7, s2  }
0x1e: {  	s7 =	smul.u32 @!p0 $0xF7A, s2;
	p2 =	seq.s32 @!p0 s5, $0x0  }
0x1f: {  	s9 =	smul.u32 $0xF7A, s1;
	s8 =	simm.s32 @!p0 $0x1BF5;
	p2 =	por !p2, p0  }
0x20: {  	[sflag:s8] =	ssyncset.s32 @!p0 $0xFFFFF086;
	s6 =	sadd.s32 @!p0 s3, s7;
	s7 =	simm.s32 @!p0 $0x108  }
0x21: {  	s3 =	sadd.s32 s3, s9;
	s6 =	sadd.s32 @!p0 $0x88, s6;
	s7 =	simm.s32 @p2 $0x1082  }
0x22: {  	[simem:s7], [sflag:s8] =	dma.local @!p0 [hbm:s6], $0xF7A  }
0x23: {  	s9 =	sor.u32 $0xD0000000, s2;
	s6 =	simm.s32 $0x108;
	_ =	swait.ge @!p0 [sflag:s8], $0x0  }
0x24: {  	s3 =	sadd.s32 $0x88, s3;
	s6 =	simm.s32 @!p1 $0x1082;
	[sflag:s4] =	ssyncset.s32 $0xFFFFF086  }
0x25: {  	[simem:s6], [sflag:s4] =	dma.local [hbm:s3], $0xF7A  }
0x26: {  	[smem:$0x3FA0] =	sst s1;
	(tag) =	ssettag s2;
	_ =	strace s9  }
0x27: {  	s1 =	sld [smem:$0x3FB0]  }
0x28: {  	s2 =	sld [smem:$0x3FB1]  }
0x29: {  	s4 =	sld [smem:$0x3FB3]  }
0x2a: {  	p0 =	seq.s32 s5, $0x0;
	s5 =	sld [smem:$0x3FB4]  }
0x2b: {  	s6 =	sld [smem:$0x3FB5]  }
0x2c: {  	s7 =	sld [smem:$0x3FB6]  }
0x2d: {  	s3 =	simm.s32 $0x108;
	s8 =	sld [smem:$0x3FB7]  }
0x2e: {  	s3 =	simm.s32 @!p0 $0x1082;
	s9 =	sld [smem:$0x3FB8]  }
0x2f: {  	lr =	sadd.s32 s0, s3;
	s0 =	sld [smem:$0x3FAF]  }
0x30: {  	s3 =	sld [smem:$0x3FB2]  }
0x31: {  	[smem:$0x3FBB] =	sst s10  }
0x32: {  	s10 =	sld [smem:$0x3FB9];
	_ =	sdelay $0x3  }
0x33: {  	p0 =	seq.s32 s10, $0x1;
	s10 =	sld [smem:$0x3FBB];
	_ =	sdelay $0x3  }
0x34: {  	[smem:$0x3FBB] =	sst s10  }
0x35: {  	s10 =	sld [smem:$0x3FBA];
	_ =	sdelay $0x3  }
0x36: {  	p1 =	seq.s32 s10, $0x1;
	s10 =	sld [smem:$0x3FBB];
	_ =	sdelay $0x3  }
0x37: {  	[smem:$0x3FBB] =	sst s10  }
0x38: {  	s10 =	sld [smem:$0x3FBC]  }
0x39: {  	_ = 	snop;
	(pc) =	sbr.ind lr, $3  }
0x3a: {  	_ = 	snop  }
0x3b: {  	_ = 	snop  }
0x3c: {  	p2 =	seq.s32 s10, $0x1;
	s10 =	sld [smem:$0x3FBB]  }
0x3d: {  	_ =	shalt  }
0x3e: {  	_ =	shalt  }
0x3f: {  	_ =	shalt  }
0x40: {  	_ =	shalt  }
0x41: {  	_ =	shalt  }
0x42: {  	_ =	shalt  }
0x43: {  	_ =	shalt  }
0x44: {  	_ =	shalt  }
0x45: {  	_ =	shalt  }
0x46: {  	_ =	shalt  }
0x47: {  	_ =	shalt  }
0x48: {  	_ =	shalt  }
0x49: {  	_ =	shalt  }
0x4a: {  	_ =	shalt  }
0x4b: {  	_ =	shalt  }
0x4c: {  	_ =	shalt  }
0x4d: {  	_ =	shalt  }
0x4e: {  	_ =	shalt  }
0x4f: {  	_ =	shalt  }
0x50: {  	_ =	shalt  }
0x51: {  	_ =	shalt  }
0x52: {  	_ =	shalt  }
0x53: {  	_ =	shalt  }
0x54: {  	_ =	shalt  }
0x55: {  	_ =	shalt  }
0x56: {  	_ =	shalt  }
0x57: {  	_ =	shalt  }
0x58: {  	_ =	shalt  }
0x59: {  	_ =	shalt  }
0x5a: {  	_ =	shalt  }
0x5b: {  	_ =	shalt  }
0x5c: {  	_ =	shalt  }
0x5d: {  	_ =	shalt  }
0x5e: {  	_ =	shalt  }
0x5f: {  	_ =	shalt  }
0x60: {  	_ =	shalt  }
0x61: {  	_ =	shalt  }
0x62: {  	_ =	shalt  }
0x63: {  	_ =	shalt  }
0x64: {  	_ =	shalt  }
0x65: {  	_ =	shalt  }
0x66: {  	_ =	shalt  }
0x67: {  	_ =	shalt  }
0x68: {  	_ =	shalt  }
0x69: {  	_ =	shalt  }
0x6a: {  	_ =	shalt  }
0x6b: {  	_ =	shalt  }
0x6c: {  	_ =	shalt  }
0x6d: {  	_ =	shalt  }
0x6e: {  	_ =	shalt  }
0x6f: {  	_ =	shalt  }
0x70: {  	_ =	shalt  }
0x71: {  	_ =	shalt  }
0x72: {  	_ =	shalt  }
0x73: {  	_ =	shalt  }
0x74: {  	_ =	shalt  }
0x75: {  	_ =	shalt  }
0x76: {  	_ =	shalt  }
0x77: {  	_ =	shalt  }
0x78: {  	_ =	shalt  }
0x79: {  	_ =	shalt  }
0x7a: {  	_ =	shalt  }
0x7b: {  	_ =	shalt  }
0x7c: {  	_ =	shalt  }
0x7d: {  	_ =	shalt  }
0x7e: {  	_ =	shalt  }
0x7f: {  	_ =	shalt  }
0x80: {  	_ =	shalt  }
0x81: {  	_ =	shalt  }
0x82: {  	_ =	shalt  }
0x83: {  	_ =	shalt  }
0x84: {  	_ =	shalt  }
0x85: {  	_ =	shalt  }
0x86: {  	_ =	shalt  }
0x87: {  	_ =	shalt  }
.Lfunc_end0:
.L_simem_size_0:
called_computation_lowered:
.L_overlay_start_0:
0x88: {  	s2 =	sld [smem:$0x3FD9]  }
0x89: {  	s3 =	sld [smem:$0x3FFE];
	_ =	sdelay $0x1  }
0x8a: {  	s1 =	srdreg.scid  }
0x8b: {  	s0 =	sand.u32 $0x1, s1  }
0x8c: {  	s15 =	sshll.u32 s0, $0xA;
	s2 =	sadd.s32 s3, s2  }
0x8d: {  	s2 =	sadd.s32 s2, s15  }
0x8e: {  	[smem:$0x3FC7] =	sst s2  }
0x8f: {  	_ = 	snop  }
0x90: {  	s2 =	sld [smem:$0x3FD0];
	_ =	sdelay $0x2  }
0x91: {  	s4 =	simm.s32 $0xA;
	s5 =	simm.s32 $0x10;
	s16 =	sld [smem:$0x3FC9]  }
0x92: {  	[smem:s5], [sflag:s4] =	dma.local [hbm:s2], $0x1  }
0x93: {  	_ =	swait.eq [sflag:s4], $0x1  }
0x94: {  	[sflag:s4] =	ssyncset.done $0x0  }
0x95: {  	[sflag:s4] =	ssyncadd.s32 $0xFFFFFFFF  }
0x96: {  	s17 =	sld [smem:$0x10];
	(tm) =	ssettm $0x1  }
0x97: {  	s18 =	sld [smem:$0x3FFB];
	_ =	sdelay $0x3  }
0x98: {  	_ =	strace s18  }
0x99: {  	s4 =	sld [smem:$0x3FFC];
	_ =	sdelay $0x3  }
0x9a: {  	_ =	strace s4  }
0x9b: {  	s4 =	sld [smem:$0x3FFD];
	_ =	sdelay $0x3  }
0x9c: {  	_ =	strace s4  }
0x9d: {  	_ =	strace $0x8FFFFFFF  }
0x9e: {  	s19 =	sld [smem:$0x3FDB];
	_ =	sdelay $0x1  }
0x9f: {  	s20 =	simm.s32 $_scs_section_size  }
0xa0: {  	s6 =	simm.s32 $_size__tile_overlayer_lowered;
	s7 =	simm.s32 $_tile_overlayer_lowered  }
0xa1: {  	s23 =	simm.s32 $0x1BFF;
	s22 =	sshll.u32 s7, $0x1;
	s4 =	sadd.s32 s20, s19  }
0xa2: {  	s8 =	simm.s32 $0x0;
	s21 =	sshll.u32 s6, $0x1;
	s6 =	sadd.s32 s22, s4  }
0xa3: {  	[timem:s8], [sflag:s23] =	dma.local [hbm:s6], s21  }
0xa4: {  	_ =	swait.ge [sflag:s23], s21  }
0xa5: {  	s5 =	ssub.s32 $0x0, s21;
	[sflag:s23] =	ssyncset.done $0x0  }
0xa6: {  	[sflag:s23] =	ssyncadd.s32 s5;
	_ =	sdelay $0x1  }
0xa7: {  	s24 =	simm.s32 $0x1B8B  }
0xa8: {  	_ =	swait.ge [sflag:s24], $0x1  }
0xa9: {  	[sflag:s24] =	ssyncset.done $0x0  }
0xaa: {  	s25 =	simm.s32 $0x1B8E;
	[sflag:s24] =	ssyncadd.s32 $0xFFFFFFFF  }
0xab: {  	s26 =	simm.s32 $execute0_lowered;
	[smem:$0x3FD2] =	sst s25  }
0xac: {  	s5 =	sshll.u32 s26, $0x1;
	_ =	strace $0x80000046;
	[dreg:$0x1] =	wrdreg $0xFFFFFFFF  }
0xad: {  	s28 =	simm.s32 $_size_execute0_lowered;
	s4 =	sadd.s32 s4, s5;
	[dreg:$0x0] =	wrdreg $0x0  }
0xae: {  	s5 =	sshll.u32 s28, $0x1;
	[dreg:$0x2] =	wrdreg s4  }
0xaf: {  	[dreg:$0x3] =	wrdreg s5  }
0xb0: {  	[dreg:$0x4] =	wrdreg $0xC0  }
0xb1: {  	_ =	task [dreg:s8], $0x5FFFF  }
0xb2: {  	[dreg:$0x1] =	wrdreg $0xFFFFFFFF  }
0xb3: {  	[dreg:$0x0] =	wrdreg $0x60  }
0xb4: {  	[dreg:$0x2] =	wrdreg s16  }
0xb5: {  	[dreg:$0x3] =	wrdreg s17  }
0xb6: {  	[dreg:$0x4] =	wrdreg $0x9  }
0xb7: {  	_ =	task.clear_ibuf [dreg:s8], $0x5FFFF;
	_ =	strace $0x90000046  }
0xb8: {  	s29 =	simm.s32 $0x9;
	_ =	strace $0x80000048  }
0xb9: {  	_ =	swait.ge [sflag:s29], $0x1  }
0xba: {  	[sflag:s29] =	ssyncadd.s32 $0xFFFFFFFF  }
0xbb: {  	_ =	strace $0x90000048  }
0xbc: {  	_ =	sfence  }
0xbd: {  	s30 =	sld [smem:$0x0];
	_ =	sdelay $0x2  }
0xbe: {  	s31 =	sshll.u32 s1, $0xD;
	s1 =	sshrl.u32 s1, $0x2  }
0xbf: {  	s3 =	sand.u32 $0x4000, s31;
	s1 =	sadd.s32 s1, s30  }
0xc0: {  	s0 =	sor.u32 s3, s0;
	s1 =	sshll.u32 s1, $0x11  }
0xc1: {  	s0 =	sor.u32 s1, s0  }
0xc2: {  	s0 =	sadd.s32 $0x8F2B, s0  }
0xc3: {  	[sflag:s0] =	ssyncadd.remote.s32 $0x1  }
0xc4: {  	_ =	sfence.sel $0xFFFF  }
0xc5: {  	[dreg:$0x0] =	wrdreg $0xFFFFFFFF;
	(pc) =	sbr.abs _section_cstart, $3  }
0xc6: {  	[dreg:$0x1] =	wrdreg $0xFFFFFFFF  }
0xc7: {  	_ =	task.clear_ibuf [dreg:s8], $0x2FFFF;
	_ =	strace $0x9FFFFFFF  }
0xc8: {  	(tm) =	ssettm $0x7FFFFFFF  }
0xc9: {  	_ =	shalt  }
tec
execute0_lowered:
.L_overlay_start_1:
0x0: {  	(tag) =	ssettag $0x1  }
0x1: {  	s0 =	srdreg.scid;
	s18 =	rddreg [dreg:$0x0]  }
0x2: {  	s24 =	stileid.u32;
	s19 =	rddreg [dreg:$0x1]  }
0x3: {  	s2 =	simm.s32 $0x0;
	s28 =	simm.s32 $0x10400;
	s29 =	simm.s32 $0x1  }
0x4: {  	s30 =	simm.s32 $0x8200;
	s0 =	sand.u32 $0x1, s0;
	s1 =	sshll.u32 s24, $0x1  }
0x5: {  	s31 =	simm.s32 $0x2;
	[smem:$0x7FF] =	sst s2;
	s1 =	sor.u32 s0, s1  }
0x6: {  	s20 =	sadd.s32 $0x10, s19;
	p0 =	sgt.u32 s24, $0x9;
	s3 =	smul.u32 $0x186, s1  }
0x7: {  	s24 =	simm.s32 $0x4;
	s0 =	ssub.s32 $0x2, s0;
	s1 =	smin.u32 s1, $0x14  }
0x8: {  	_ =	strace $0x80000047;
	s22 =	sshrl.u32 s0, $0x1;
	s1 =	sadd.s32 s1, s3  }
0x9: {  	s0 =	ssub.s32 s0, s22;
	s8 =	sadd.s32 $0x82, s1;
	s23 =	sshll.u32 s1, $0x4  }
0xa: {  	s16 =	sadd.s32 $0x186, s1;
	s6 =	sshll.u32 s1, $0x5;
	s1 =	sadd.s32 $0x104, s1  }
0xb: {  	s4 =	sshll.u32 s8, $0x4;
	s3 =	sadd.s32 s18, s23;
	s5 =	sadd.s32 s6, s20  }
0xc: {  	s6 =	sadd.s32 s19, s6;
	s9 =	sshll.u32 s1, $0x4;
	s12 =	sshll.u32 s8, $0x5  }
0xd: {  	s1 =	sshll.u32 s1, $0x5;
	s21 =	sshll.u32 s16, $0x4;
	s22 =	sshll.u32 s16, $0x5  }
0xe: {  	s4 =	sand.u32 $0x1FFFFFF0, s4;
	s7 =	sadd.s32 $0x61A80, s6;
	s9 =	sand.u32 $0x1FFFFFF0, s9  }
0xf: {  	s8 =	sadd.s32 $0x61A90, s6;
	s11 =	sand.u32 $0x1FFFFFE0, s12;
	s10 =	sadd.s32 s12, s20  }
0x10: {  	s12 =	sadd.s32 s19, s12;
	s15 =	sand.u32 $0x1FFFFFE0, s1;
	s14 =	sadd.s32 s1, s20  }
0x11: {  	s16 =	sadd.s32 s19, s1;
	s25 =	sand.u32 $0x1FFFFFF0, s21;
	s26 =	sand.u32 $0x1FFFFFE0, s22  }
0x12: {  	s23 =	sadd.s32 s22, s20;
	s4 =	sadd.s32 s18, s4;
	s9 =	sadd.s32 s18, s9  }
0x13: {  	s13 =	sadd.s32 s19, s11;
	s17 =	sadd.s32 s19, s15;
	s1 =	sadd.s32 s18, s25  }
0x14: {  	s21 =	sadd.s32 s19, s26;
	[dreg:$0x4] =	wrdreg s23;
	s26 =	sadd.s32 s19, s22  }
0x15: {  	s23 =	smax.u32 s0, $0x1;
	s0 =	simm.s32 $0x3;
	s18 =	simm.s32 $0x5  }
.Ltmp0:
0x16: {  	s19 =	simm.s32 $0x0;
	s11 =	sadd.s32 $0x61A80, s13;
	(pc) =	sbr.rel .LBB2_1-.Ltmp0, $4  }
0x17: {  	s13 =	sadd.s32 $0x61A90, s13;
	s15 =	sadd.s32 $0x61A80, s17;
	[dreg:$0x3] =	wrdreg s1  }
0x18: {  	s17 =	sadd.s32 $0x61A90, s17;
	s25 =	sadd.s32 $0x61A80, s21;
	[dreg:$0x6] =	wrdreg s26  }
0x19: {  	s1 =	sadd.s32 $0x61A90, s21;
	s26 =	simm.s32 $0x100;
	[dreg:$0x5] =	wrdreg s25  }
0x1a: {  	v0 =	vimm.f32 $1.000000000e+00;
	[dreg:$0x7] =	wrdreg s1;
	s25 =	simm.s32 $0x80;
	s1 =	simm.s32 $0xC300  }
.LBB2_11:
0x1b: {  	s19 =	sadd.s32 $0x1, s19  }
0x1c: {  	p1 =	sne.s32 s19, s23  }
.Ltmp1:
0x1d: {  	_ = 	snop;
	(pc) =	sbr.rel @!p1 .LBB2_12-.Ltmp1, $1  }
0x1e: {  	_ =	sdelay $0x3  }
.LBB2_1:
0x1f: {  	s20 =	simm.s32 $0x10440  }
0x20: {  	[tilespmem:s20+$0xFFFFFFC0] =	vst v0  }
0x21: {  	[tilespmem:s20+$0x30] =	vst v0  }
0x22: {  	[tilespmem:s20+$0x20] =	vst v0  }
0x23: {  	[tilespmem:s20+$0x10] =	vst v0  }
0x24: {  	[tilespmem:s20+$0x0] =	vst v0  }
0x25: {  	[tilespmem:s20+$0xFFFFFFF0] =	vst v0  }
0x26: {  	s21 =	simm.s32 $0x0;
	[tilespmem:s20+$0xFFFFFFE0] =	vst v0  }
.LBB2_2:
0x27: {  	s21 =	sadd.s32 $0x8, s21;
	[tilespmem:s20+$0xFFFFFFD0] =	vst v0;
	s20 =	sadd.s32 $0x80, s20  }
0x28: {  	[tilespmem:s20+$0xFFFFFFC0] =	vst v0;
	p1 =	slt.u32 s21, $0x408  }
0x29: {  	[tilespmem:s20+$0x30] =	vst v0  }
.Ltmp2:
0x2a: {  	[tilespmem:s20+$0x20] =	vst v0;
	(pc) =	sbr.rel @p1 .LBB2_2-.Ltmp2, $4  }
0x2b: {  	[tilespmem:s20+$0x10] =	vst v0  }
0x2c: {  	[tilespmem:s20+$0x0] =	vst v0  }
0x2d: {  	[tilespmem:s20+$0xFFFFFFF0] =	vst v0  }
0x2e: {  	[tilespmem:s20+$0xFFFFFFE0] =	vst v0  }
0x2f: {  	[tilespmem:s20+$0xFFFFFFD0] =	vst v0  }
0x30: {  	[tilespmem:s2], [sflag:$0x1] =	stream.linear.gather [hbm4b:s3+s2], $0x4100, $0x38;
	[tilespmem:$0x14500] =	vst v63  }
0x31: {  	s22 =	simm.s32 $0x4100  }
0x32: {  	[tilespmem:s22], [sflag:$0x2] =	stream.linear.gather [hbm4b:s4+s2], $0x4100, $0x38;
	[tilespmem:$0x14500] =	vst v63  }
0x33: {  	_ = 	snop  }
0x34: {  	[hbm4b:s5+s25] =	stream.strided.scatter [tilespmem:s28], [sflag:$0x5], $0x4100, s26, s25, $0x38;
	[tilespmem:$0x14500] =	vst v63  }
0x35: {  	_ = 	snop  }
0x36: {  	[hbm4b:s7+s25] =	stream.strided.scatter [tilespmem:s28], [sflag:$0x5], $0x4100, s26, s25, $0x38;
	[tilespmem:$0x14500] =	vst v63  }
0x37: {  	_ =	swait.ge [sflag:s29], $0x4100  }
0x38: {  	[sflag:s29] =	ssyncset.done $0x0  }
0x39: {  	s21 =	simm.s32 $0x40;
	[sflag:s29] =	ssyncadd.s32 $0xFFFFBF00  }
0x3a: {  	v1 =	vld [tilespmem:s21+$0x30]  }
0x3b: {  	v2 =	vld [tilespmem:s21+$0xFFFFFFD0]  }
0x3c: {  	v3 =	vld [tilespmem:s21+$0xFFFFFFE0]  }
0x3d: {  	v4 =	vld [tilespmem:s21+$0xFFFFFFF0]  }
0x3e: {  	v5 =	vld [tilespmem:s21+$0x0]  }
0x3f: {  	v6 =	vld [tilespmem:s21+$0x10];
	v1 =	vadd.f32 v1, v1  }
0x40: {  	v7 =	vld [tilespmem:s21+$0x20];
	v2 =	vadd.f32 v2, v2  }
0x41: {  	v3 =	vadd.f32 v3, v3;
	v1 =	vmul.f32 $1.442695020e+00, v1  }
0x42: {  	s22 =	simm.s32 $0xC0;
	v8 =	vld [tilespmem:s21+$0xFFFFFFC0];
	v4 =	vadd.f32 v4, v4;
	v2 =	vmul.f32 $1.442695020e+00, v2  }
0x43: {  	v5 =	vadd.f32 v5, v5;
	v3 =	vmul.f32 $1.442695020e+00, v3;
	(erf) = vpow2.f32 v1;
	v1 =	vld [tilespmem:s22+$0x30]  }
0x44: {  	v6 =	vadd.f32 v6, v6;
	v4 =	vmul.f32 $1.442695020e+00, v4;
	(erf) = vpow2.f32 v2;
	v2 =	vld [tilespmem:s22+$0xFFFFFFD0]  }
0x45: {  	v7 =	vadd.f32 v7, v7;
	v5 =	vmul.f32 $1.442695020e+00, v5;
	(erf) = vpow2.f32 v3;
	v3 =	vld [tilespmem:s22+$0xFFFFFFE0]  }
0x46: {  	v6 =	vmul.f32 $1.442695020e+00, v6;
	(erf) = vpow2.f32 v4;
	v4 =	vld [tilespmem:s22+$0xFFFFFFF0]  }
0x47: {  	v8 =	vadd.f32 v8, v8;
	v7 =	vmul.f32 $1.442695020e+00, v7;
	(erf) = vpow2.f32 v5;
	v5 =	vld [tilespmem:s22+$0x0]  }
0x48: {  	(erf) = vpow2.f32 v6;
	v6 =	vld [tilespmem:s22+$0x10];
	v1 =	vadd.f32 v1, v1  }
0x49: {  	v8 =	vmul.f32 $1.442695020e+00, v8;
	(erf) = vpow2.f32 v7;
	v7 =	vld [tilespmem:s22+$0x20]  }
0x4a: {  	v2 =	vadd.f32 v2, v2;
	v3 =	vadd.f32 v3, v3;
	v1 =	vmul.f32 $1.442695020e+00, v1  }
0x4b: {  	(erf) = vpow2.f32 v8;
	v8 =	vld [tilespmem:s22+$0xFFFFFFC0];
	v4 =	vadd.f32 v4, v4  }
0x4c: {  	s22 =	simm.s32 $0x140;
	v2 =	vmul.f32 $1.442695020e+00, v2;
	v3 =	vmul.f32 $1.442695020e+00, v3  }
0x4d: {  	s20 =	simm.s32 $0x8240;
	v9 =	vld [tilespmem:s22+$0x30];
	v10 =	vpop (erf);
	v5 =	vadd.f32 v5, v5;
	(erf) = vpow2.f32 v1;
	v4 =	vmul.f32 $1.442695020e+00, v4  }
0x4e: {  	v11 =	vld [tilespmem:s22+$0xFFFFFFD0];
	[tilespmem:s20+$0x30] =	vst v10;
	v6 =	vadd.f32 v6, v6;
	v1 =	vpop (erf);
	(erf) = vpow2.f32 v2;
	v7 =	vadd.f32 v7, v7  }
0x4f: {  	v10 =	vld [tilespmem:s22+$0xFFFFFFE0];
	v5 =	vmul.f32 $1.442695020e+00, v5;
	[tilespmem:s20+$0xFFFFFFD0] =	vst v1;
	v1 =	vpop (erf);
	(erf) = vpow2.f32 v3  }
0x50: {  	v12 =	vld [tilespmem:s22+$0xFFFFFFF0];
	v3 =	vadd.f32 v8, v8;
	v6 =	vmul.f32 $1.442695020e+00, v6;
	[tilespmem:s20+$0xFFFFFFE0] =	vst v1;
	v1 =	vpop (erf);
	(erf) = vpow2.f32 v4  }
0x51: {  	v2 =	vld [tilespmem:s22+$0x0];
	v4 =	vmul.f32 $1.442695020e+00, v7;
	[tilespmem:s20+$0xFFFFFFF0] =	vst v1;
	v1 =	vpop (erf);
	(erf) = vpow2.f32 v5  }
0x52: {  	v5 =	vadd.f32 v9, v9;
	v8 =	vmul.f32 $1.442695020e+00, v3;
	[tilespmem:s20+$0x0] =	vst v1;
	v7 =	vpop (erf);
	v1 =	vld [tilespmem:s22+$0x10];
	(erf) = vpow2.f32 v6  }
0x53: {  	v9 =	vadd.f32 v11, v11;
	v3 =	vld [tilespmem:s22+$0x20];
	[tilespmem:s20+$0x10] =	vst v7;
	v11 =	vpop (erf);
	(erf) = vpow2.f32 v4  }
0x54: {  	v7 =	vadd.f32 v10, v10;
	v6 =	vmul.f32 $1.442695020e+00, v5;
	v4 =	vld [tilespmem:s22+$0xFFFFFFC0];
	[tilespmem:s20+$0x20] =	vst v11;
	v10 =	vpop (erf);
	(erf) = vpow2.f32 v8  }
0x55: {  	s21 =	simm.s32 $0x10;
	v5 =	vmul.f32 $1.442695020e+00, v9;
	s22 =	simm.s32 $0x1C0;
	v8 =	vadd.f32 v12, v12;
	[tilespmem:s20+$0xFFFFFFC0] =	vst v10  }
.LBB2_4:
0x56: {  	v9 =	vld [tilespmem:s22+$0x30];
	s21 =	sadd.s32 $0x8, s21;
	v7 =	vmul.f32 $1.442695020e+00, v7;
	v12 =	vadd.f32 v2, v2;
	(erf) = vpow2.f32 v6;
	v6 =	vpop (erf);
	s20 =	sadd.s32 $0x80, s20  }
0x57: {  	v10 =	vld [tilespmem:s22+$0xFFFFFFD0];
	p1 =	slt.u32 s21, $0x408;
	v8 =	vmul.f32 $1.442695020e+00, v8;
	v13 =	vadd.f32 v1, v1;
	(erf) = vpow2.f32 v5;
	[tilespmem:s20+$0x30] =	vst v6;
	v5 =	vpop (erf)  }
0x58: {  	v6 =	vld [tilespmem:s22+$0xFFFFFFE0];
	v11 =	vmul.f32 $1.442695020e+00, v12;
	v14 =	vadd.f32 v3, v3;
	(erf) = vpow2.f32 v7;
	[tilespmem:s20+$0xFFFFFFD0] =	vst v5;
	v2 =	vpop (erf)  }
0x59: {  	v12 =	vld [tilespmem:s22+$0xFFFFFFF0];
	v15 =	vadd.f32 v4, v4;
	v5 =	vmul.f32 $1.442695020e+00, v13;
	(erf) = vpow2.f32 v8;
	[tilespmem:s20+$0xFFFFFFE0] =	vst v2;
	v1 =	vpop (erf)  }
.Ltmp3:
0x5a: {  	v2 =	vld [tilespmem:s22+$0x0];
	v7 =	vmul.f32 $1.442695020e+00, v14;
	(erf) = vpow2.f32 v11;
	[tilespmem:s20+$0xFFFFFFF0] =	vst v1;
	v3 =	vpop (erf);
	(pc) =	sbr.rel @p1 .LBB2_4-.Ltmp3, $4  }
0x5b: {  	v1 =	vld [tilespmem:s22+$0x10];
	v8 =	vadd.f32 v9, v9;
	v11 =	vmul.f32 $1.442695020e+00, v15;
	(erf) = vpow2.f32 v5;
	[tilespmem:s20+$0x0] =	vst v3;
	v4 =	vpop (erf)  }
0x5c: {  	v5 =	vadd.f32 v10, v10;
	v3 =	vld [tilespmem:s22+$0x20];
	(erf) = vpow2.f32 v7;
	[tilespmem:s20+$0x10] =	vst v4;
	v10 =	vpop (erf)  }
0x5d: {  	v4 =	vld [tilespmem:s22+$0xFFFFFFC0];
	v7 =	vadd.f32 v6, v6;
	v6 =	vmul.f32 $1.442695020e+00, v8;
	(erf) = vpow2.f32 v11;
	[tilespmem:s20+$0x20] =	vst v10;
	v9 =	vpop (erf)  }
0x5e: {  	s22 =	sadd.s32 $0x80, s22;
	v5 =	vmul.f32 $1.442695020e+00, v5;
	v8 =	vadd.f32 v12, v12;
	[tilespmem:s20+$0xFFFFFFC0] =	vst v9  }
0x5f: {  	v7 =	vmul.f32 $1.442695020e+00, v7;
	v2 =	vadd.f32 v2, v2  }
0x60: {  	(erf) = vpow2.f32 v6;
	v8 =	vmul.f32 $1.442695020e+00, v8;
	v1 =	vadd.f32 v1, v1  }
0x61: {  	v6 =	vpop (erf);
	s20 =	sadd.s32 $0x80, s20;
	(erf) = vpow2.f32 v5;
	v2 =	vmul.f32 $1.442695020e+00, v2  }
0x62: {  	[tilespmem:s20+$0x30] =	vst v6;
	v5 =	vpop (erf);
	v3 =	vadd.f32 v3, v3;
	(erf) = vpow2.f32 v7;
	v1 =	vmul.f32 $1.442695020e+00, v1  }
0x63: {  	[tilespmem:s20+$0xFFFFFFD0] =	vst v5;
	v5 =	vpop (erf);
	v4 =	vadd.f32 v4, v4;
	(erf) = vpow2.f32 v8  }
0x64: {  	[tilespmem:s20+$0xFFFFFFE0] =	vst v5;
	v5 =	vpop (erf);
	v3 =	vmul.f32 $1.442695020e+00, v3;
	(erf) = vpow2.f32 v2  }
0x65: {  	[tilespmem:s20+$0xFFFFFFF0] =	vst v5;
	v4 =	vmul.f32 $1.442695020e+00, v4;
	v2 =	vpop (erf);
	(erf) = vpow2.f32 v1  }
0x66: {  	[tilespmem:s20+$0x0] =	vst v2;
	v1 =	vpop (erf);
	(erf) = vpow2.f32 v3  }
0x67: {  	[tilespmem:s20+$0x10] =	vst v1;
	v1 =	vpop (erf);
	(erf) = vpow2.f32 v4  }
0x68: {  	[tilespmem:s20+$0x20] =	vst v1;
	v1 =	vpop (erf)  }
0x69: {  	[tilespmem:s20+$0xFFFFFFC0] =	vst v1;
	v1 =	vpop (erf);
	s20 =	sadd.s32 $0x80, s20  }
0x6a: {  	[tilespmem:s20+$0x30] =	vst v1;
	v1 =	vpop (erf)  }
0x6b: {  	[tilespmem:s20+$0xFFFFFFD0] =	vst v1;
	v1 =	vpop (erf)  }
0x6c: {  	[tilespmem:s20+$0xFFFFFFE0] =	vst v1;
	v1 =	vpop (erf)  }
0x6d: {  	[tilespmem:s20+$0xFFFFFFF0] =	vst v1;
	v1 =	vpop (erf)  }
0x6e: {  	[tilespmem:s20+$0x0] =	vst v1;
	v1 =	vpop (erf)  }
0x6f: {  	[tilespmem:s20+$0x10] =	vst v1;
	v1 =	vpop (erf)  }
0x70: {  	[tilespmem:s20+$0x20] =	vst v1;
	v1 =	vpop (erf)  }
0x71: {  	[tilespmem:s20+$0xFFFFFFC0] =	vst v1  }
0x72: {  	[hbm4b:s6+s25] =	stream.strided.scatter [tilespmem:s30], [sflag:$0x3], $0x4100, s26, s25, $0x38;
	[tilespmem:$0x14500] =	vst v63  }
0x73: {  	_ = 	snop  }
0x74: {  	[hbm4b:s8+s25] =	stream.strided.scatter [tilespmem:s30], [sflag:$0x3], $0x4100, s26, s25, $0x38;
	[tilespmem:$0x14500] =	vst v63  }
0x75: {  	_ = 	snop  }
0x76: {  	[tilespmem:s2], [sflag:$0x1] =	stream.linear.gather [hbm4b:s9+s2], $0x4100, $0x38;
	[tilespmem:$0x14500] =	vst v63  }
0x77: {  	_ = 	snop  }
0x78: {  	[hbm4b:s10+s25] =	stream.strided.scatter [tilespmem:s28], [sflag:$0x5], $0x4100, s26, s25, $0x38;
	[tilespmem:$0x14500] =	vst v63  }
0x79: {  	_ = 	snop  }
0x7a: {  	[hbm4b:s11+s25] =	stream.strided.scatter [tilespmem:s28], [sflag:$0x5], $0x4100, s26, s25, $0x38;
	[tilespmem:$0x14500] =	vst v63  }
0x7b: {  	_ =	swait.ge [sflag:s31], $0x4100  }
0x7c: {  	[sflag:s31] =	ssyncset.done $0x0  }
0x7d: {  	s21 =	simm.s32 $0x4140;
	[sflag:s31] =	ssyncadd.s32 $0xFFFFBF00  }
0x7e: {  	v1 =	vld [tilespmem:s21+$0x30]  }
0x7f: {  	v2 =	vld [tilespmem:s21+$0xFFFFFFD0]  }
0x80: {  	v3 =	vld [tilespmem:s21+$0xFFFFFFE0]  }
0x81: {  	v4 =	vld [tilespmem:s21+$0xFFFFFFF0]  }
0x82: {  	v5 =	vld [tilespmem:s21+$0x0]  }
0x83: {  	v6 =	vld [tilespmem:s21+$0x10];
	v1 =	vadd.f32 v1, v1  }
0x84: {  	v7 =	vld [tilespmem:s21+$0x20];
	v2 =	vadd.f32 v2, v2  }
0x85: {  	v3 =	vadd.f32 v3, v3;
	v1 =	vmul.f32 $1.442695020e+00, v1  }
0x86: {  	s22 =	simm.s32 $0x41C0;
	v8 =	vld [tilespmem:s21+$0xFFFFFFC0];
	v4 =	vadd.f32 v4, v4;
	v2 =	vmul.f32 $1.442695020e+00, v2  }
0x87: {  	v5 =	vadd.f32 v5, v5;
	v3 =	vmul.f32 $1.442695020e+00, v3;
	(erf) = vpow2.f32 v1;
	v1 =	vld [tilespmem:s22+$0x30]  }
0x88: {  	v6 =	vadd.f32 v6, v6;
	v4 =	vmul.f32 $1.442695020e+00, v4;
	(erf) = vpow2.f32 v2;
	v2 =	vld [tilespmem:s22+$0xFFFFFFD0]  }
0x89: {  	v7 =	vadd.f32 v7, v7;
	v5 =	vmul.f32 $1.442695020e+00, v5;
	(erf) = vpow2.f32 v3;
	v3 =	vld [tilespmem:s22+$0xFFFFFFE0]  }
0x8a: {  	v6 =	vmul.f32 $1.442695020e+00, v6;
	(erf) = vpow2.f32 v4;
	v4 =	vld [tilespmem:s22+$0xFFFFFFF0]  }
0x8b: {  	v8 =	vadd.f32 v8, v8;
	v7 =	vmul.f32 $1.442695020e+00, v7;
	(erf) = vpow2.f32 v5;
	v5 =	vld [tilespmem:s22+$0x0]  }
0x8c: {  	(erf) = vpow2.f32 v6;
	v6 =	vld [tilespmem:s22+$0x10];
	v1 =	vadd.f32 v1, v1  }
0x8d: {  	v8 =	vmul.f32 $1.442695020e+00, v8;
	(erf) = vpow2.f32 v7;
	v7 =	vld [tilespmem:s22+$0x20]  }
0x8e: {  	v2 =	vadd.f32 v2, v2;
	v3 =	vadd.f32 v3, v3;
	v1 =	vmul.f32 $1.442695020e+00, v1  }
0x8f: {  	(erf) = vpow2.f32 v8;
	v8 =	vld [tilespmem:s22+$0xFFFFFFC0];
	v4 =	vadd.f32 v4, v4  }
0x90: {  	s22 =	simm.s32 $0x4240;
	v2 =	vmul.f32 $1.442695020e+00, v2;
	v3 =	vmul.f32 $1.442695020e+00, v3  }
0x91: {  	s20 =	simm.s32 $0xC340;
	v9 =	vld [tilespmem:s22+$0x30];
	v10 =	vpop (erf);
	v5 =	vadd.f32 v5, v5;
	(erf) = vpow2.f32 v1;
	v4 =	vmul.f32 $1.442695020e+00, v4  }
0x92: {  	v11 =	vld [tilespmem:s22+$0xFFFFFFD0];
	[tilespmem:s20+$0x30] =	vst v10;
	v6 =	vadd.f32 v6, v6;
	(erf) = vpow2.f32 v2;
	v1 =	vpop (erf);
	v7 =	vadd.f32 v7, v7  }
0x93: {  	v10 =	vld [tilespmem:s22+$0xFFFFFFE0];
	v5 =	vmul.f32 $1.442695020e+00, v5;
	(erf) = vpow2.f32 v3;
	[tilespmem:s20+$0xFFFFFFD0] =	vst v1;
	v1 =	vpop (erf)  }
0x94: {  	v12 =	vld [tilespmem:s22+$0xFFFFFFF0];
	v3 =	vadd.f32 v8, v8;
	v6 =	vmul.f32 $1.442695020e+00, v6;
	(erf) = vpow2.f32 v4;
	[tilespmem:s20+$0xFFFFFFE0] =	vst v1;
	v1 =	vpop (erf)  }
0x95: {  	v2 =	vld [tilespmem:s22+$0x0];
	v4 =	vmul.f32 $1.442695020e+00, v7;
	(erf) = vpow2.f32 v5;
	[tilespmem:s20+$0xFFFFFFF0] =	vst v1;
	v1 =	vpop (erf)  }
0x96: {  	v5 =	vadd.f32 v9, v9;
	v8 =	vmul.f32 $1.442695020e+00, v3;
	(erf) = vpow2.f32 v6;
	[tilespmem:s20+$0x0] =	vst v1;
	v7 =	vpop (erf);
	v1 =	vld [tilespmem:s22+$0x10]  }
0x97: {  	v9 =	vadd.f32 v11, v11;
	v3 =	vld [tilespmem:s22+$0x20];
	(erf) = vpow2.f32 v4;
	[tilespmem:s20+$0x10] =	vst v7;
	v11 =	vpop (erf)  }
0x98: {  	v6 =	vmul.f32 $1.442695020e+00, v5;
	v4 =	vld [tilespmem:s22+$0xFFFFFFC0];
	v7 =	vadd.f32 v10, v10;
	[tilespmem:s20+$0x20] =	vst v11;
	v10 =	vpop (erf);
	(erf) = vpow2.f32 v8  }
0x99: {  	s21 =	simm.s32 $0x10;
	v5 =	vmul.f32 $1.442695020e+00, v9;
	s22 =	simm.s32 $0x42C0;
	v8 =	vadd.f32 v12, v12;
	[tilespmem:s20+$0xFFFFFFC0] =	vst v10  }
.LBB2_6:
0x9a: {  	v9 =	vld [tilespmem:s22+$0x30];
	s21 =	sadd.s32 $0x8, s21;
	v7 =	vmul.f32 $1.442695020e+00, v7;
	v12 =	vadd.f32 v2, v2;
	(erf) = vpow2.f32 v6;
	v6 =	vpop (erf);
	s20 =	sadd.s32 $0x80, s20  }
0x9b: {  	v10 =	vld [tilespmem:s22+$0xFFFFFFD0];
	p1 =	slt.u32 s21, $0x408;
	v8 =	vmul.f32 $1.442695020e+00, v8;
	v13 =	vadd.f32 v1, v1;
	(erf) = vpow2.f32 v5;
	[tilespmem:s20+$0x30] =	vst v6;
	v5 =	vpop (erf)  }
0x9c: {  	v6 =	vld [tilespmem:s22+$0xFFFFFFE0];
	v11 =	vmul.f32 $1.442695020e+00, v12;
	v14 =	vadd.f32 v3, v3;
	(erf) = vpow2.f32 v7;
	[tilespmem:s20+$0xFFFFFFD0] =	vst v5;
	v2 =	vpop (erf)  }
0x9d: {  	v12 =	vld [tilespmem:s22+$0xFFFFFFF0];
	v15 =	vadd.f32 v4, v4;
	v5 =	vmul.f32 $1.442695020e+00, v13;
	(erf) = vpow2.f32 v8;
	[tilespmem:s20+$0xFFFFFFE0] =	vst v2;
	v1 =	vpop (erf)  }
.Ltmp4:
0x9e: {  	v2 =	vld [tilespmem:s22+$0x0];
	v7 =	vmul.f32 $1.442695020e+00, v14;
	(erf) = vpow2.f32 v11;
	[tilespmem:s20+$0xFFFFFFF0] =	vst v1;
	v3 =	vpop (erf);
	(pc) =	sbr.rel @p1 .LBB2_6-.Ltmp4, $4  }
0x9f: {  	v1 =	vld [tilespmem:s22+$0x10];
	v8 =	vadd.f32 v9, v9;
	v11 =	vmul.f32 $1.442695020e+00, v15;
	(erf) = vpow2.f32 v5;
	[tilespmem:s20+$0x0] =	vst v3;
	v4 =	vpop (erf)  }
0xa0: {  	v5 =	vadd.f32 v10, v10;
	v3 =	vld [tilespmem:s22+$0x20];
	(erf) = vpow2.f32 v7;
	[tilespmem:s20+$0x10] =	vst v4;
	v10 =	vpop (erf)  }
0xa1: {  	v4 =	vld [tilespmem:s22+$0xFFFFFFC0];
	v7 =	vadd.f32 v6, v6;
	v6 =	vmul.f32 $1.442695020e+00, v8;
	(erf) = vpow2.f32 v11;
	[tilespmem:s20+$0x20] =	vst v10;
	v9 =	vpop (erf)  }
0xa2: {  	s22 =	sadd.s32 $0x80, s22;
	v5 =	vmul.f32 $1.442695020e+00, v5;
	v8 =	vadd.f32 v12, v12;
	[tilespmem:s20+$0xFFFFFFC0] =	vst v9  }
0xa3: {  	v7 =	vmul.f32 $1.442695020e+00, v7;
	v2 =	vadd.f32 v2, v2  }
0xa4: {  	(erf) = vpow2.f32 v6;
	v8 =	vmul.f32 $1.442695020e+00, v8;
	v1 =	vadd.f32 v1, v1  }
0xa5: {  	v6 =	vpop (erf);
	s20 =	sadd.s32 $0x80, s20;
	(erf) = vpow2.f32 v5;
	v2 =	vmul.f32 $1.442695020e+00, v2  }
0xa6: {  	[tilespmem:s20+$0x30] =	vst v6;
	v5 =	vpop (erf);
	v3 =	vadd.f32 v3, v3;
	(erf) = vpow2.f32 v7;
	v1 =	vmul.f32 $1.442695020e+00, v1  }
0xa7: {  	[tilespmem:s20+$0xFFFFFFD0] =	vst v5;
	v5 =	vpop (erf);
	v4 =	vadd.f32 v4, v4;
	(erf) = vpow2.f32 v8  }
0xa8: {  	[tilespmem:s20+$0xFFFFFFE0] =	vst v5;
	v5 =	vpop (erf);
	v3 =	vmul.f32 $1.442695020e+00, v3;
	(erf) = vpow2.f32 v2  }
0xa9: {  	[tilespmem:s20+$0xFFFFFFF0] =	vst v5;
	v4 =	vmul.f32 $1.442695020e+00, v4;
	v2 =	vpop (erf);
	(erf) = vpow2.f32 v1  }
0xaa: {  	[tilespmem:s20+$0x0] =	vst v2;
	v1 =	vpop (erf);
	(erf) = vpow2.f32 v3  }
0xab: {  	[tilespmem:s20+$0x10] =	vst v1;
	v1 =	vpop (erf);
	(erf) = vpow2.f32 v4  }
0xac: {  	[tilespmem:s20+$0x20] =	vst v1;
	v1 =	vpop (erf)  }
0xad: {  	[tilespmem:s20+$0xFFFFFFC0] =	vst v1;
	v1 =	vpop (erf);
	s20 =	sadd.s32 $0x80, s20  }
0xae: {  	[tilespmem:s20+$0x30] =	vst v1;
	v1 =	vpop (erf)  }
0xaf: {  	[tilespmem:s20+$0xFFFFFFD0] =	vst v1;
	v1 =	vpop (erf)  }
0xb0: {  	[tilespmem:s20+$0xFFFFFFE0] =	vst v1;
	v1 =	vpop (erf)  }
0xb1: {  	[tilespmem:s20+$0xFFFFFFF0] =	vst v1;
	v1 =	vpop (erf)  }
0xb2: {  	[tilespmem:s20+$0x0] =	vst v1;
	v1 =	vpop (erf)  }
0xb3: {  	[tilespmem:s20+$0x10] =	vst v1;
	v1 =	vpop (erf)  }
0xb4: {  	[tilespmem:s20+$0x20] =	vst v1;
	v1 =	vpop (erf)  }
0xb5: {  	[tilespmem:s20+$0xFFFFFFC0] =	vst v1  }
0xb6: {  	[hbm4b:s12+s25] =	stream.strided.scatter [tilespmem:s1], [sflag:$0x4], $0x4100, s26, s25, $0x38;
	[tilespmem:$0x14500] =	vst v63  }
0xb7: {  	_ = 	snop  }
0xb8: {  	[hbm4b:s13+s25] =	stream.strided.scatter [tilespmem:s1], [sflag:$0x4], $0x4100, s26, s25, $0x38;
	[tilespmem:$0x14500] =	vst v63  }
0xb9: {  	_ = 	snop  }
0xba: {  	[hbm4b:s14+s25] =	stream.strided.scatter [tilespmem:s28], [sflag:$0x5], $0x4100, s26, s25, $0x38;
	[tilespmem:$0x14500] =	vst v63  }
0xbb: {  	_ = 	snop  }
0xbc: {  	[hbm4b:s15+s25] =	stream.strided.scatter [tilespmem:s28], [sflag:$0x5], $0x4100, s26, s25, $0x38;
	[tilespmem:$0x14500] =	vst v63  }
0xbd: {  	_ =	swait.ge [sflag:s29], $0x4100  }
0xbe: {  	[sflag:s29] =	ssyncset.done $0x0  }
0xbf: {  	[sflag:s29] =	ssyncadd.s32 $0xFFFFBF00  }
0xc0: {  	_ =	swait.ge [sflag:s0], $0x4100  }
0xc1: {  	[sflag:s0] =	ssyncset.done $0x0  }
0xc2: {  	[sflag:s0] =	ssyncadd.s32 $0xFFFFBF00  }
0xc3: {  	_ =	swait.ge [sflag:s0], $0x4100  }
0xc4: {  	[sflag:s0] =	ssyncset.done $0x0  }
0xc5: {  	s21 =	simm.s32 $0x40;
	[sflag:s0] =	ssyncadd.s32 $0xFFFFBF00  }
0xc6: {  	v1 =	vld [tilespmem:s21+$0x30]  }
0xc7: {  	v2 =	vld [tilespmem:s21+$0xFFFFFFD0]  }
0xc8: {  	v3 =	vld [tilespmem:s21+$0xFFFFFFE0]  }
0xc9: {  	v4 =	vld [tilespmem:s21+$0xFFFFFFF0]  }
0xca: {  	v5 =	vld [tilespmem:s21+$0x0]  }
0xcb: {  	v6 =	vld [tilespmem:s21+$0x10];
	v1 =	vadd.f32 v1, v1  }
0xcc: {  	v7 =	vld [tilespmem:s21+$0x20];
	v2 =	vadd.f32 v2, v2  }
0xcd: {  	v3 =	vadd.f32 v3, v3;
	v1 =	vmul.f32 $1.442695020e+00, v1  }
0xce: {  	s22 =	simm.s32 $0xC0;
	v8 =	vld [tilespmem:s21+$0xFFFFFFC0];
	v4 =	vadd.f32 v4, v4;
	v2 =	vmul.f32 $1.442695020e+00, v2  }
0xcf: {  	v5 =	vadd.f32 v5, v5;
	v3 =	vmul.f32 $1.442695020e+00, v3;
	(erf) = vpow2.f32 v1;
	v1 =	vld [tilespmem:s22+$0x30]  }
0xd0: {  	v6 =	vadd.f32 v6, v6;
	v4 =	vmul.f32 $1.442695020e+00, v4;
	(erf) = vpow2.f32 v2;
	v2 =	vld [tilespmem:s22+$0xFFFFFFD0]  }
0xd1: {  	v7 =	vadd.f32 v7, v7;
	v5 =	vmul.f32 $1.442695020e+00, v5;
	(erf) = vpow2.f32 v3;
	v3 =	vld [tilespmem:s22+$0xFFFFFFE0]  }
0xd2: {  	v6 =	vmul.f32 $1.442695020e+00, v6;
	(erf) = vpow2.f32 v4;
	v4 =	vld [tilespmem:s22+$0xFFFFFFF0]  }
0xd3: {  	v8 =	vadd.f32 v8, v8;
	v7 =	vmul.f32 $1.442695020e+00, v7;
	(erf) = vpow2.f32 v5;
	v5 =	vld [tilespmem:s22+$0x0]  }
0xd4: {  	(erf) = vpow2.f32 v6;
	v6 =	vld [tilespmem:s22+$0x10];
	v1 =	vadd.f32 v1, v1  }
0xd5: {  	v8 =	vmul.f32 $1.442695020e+00, v8;
	(erf) = vpow2.f32 v7;
	v7 =	vld [tilespmem:s22+$0x20]  }
0xd6: {  	v2 =	vadd.f32 v2, v2;
	v3 =	vadd.f32 v3, v3;
	v1 =	vmul.f32 $1.442695020e+00, v1  }
0xd7: {  	(erf) = vpow2.f32 v8;
	v8 =	vld [tilespmem:s22+$0xFFFFFFC0];
	v4 =	vadd.f32 v4, v4  }
0xd8: {  	s22 =	simm.s32 $0x140;
	v2 =	vmul.f32 $1.442695020e+00, v2;
	v3 =	vmul.f32 $1.442695020e+00, v3  }
0xd9: {  	s20 =	simm.s32 $0x8240;
	v9 =	vld [tilespmem:s22+$0x30];
	v10 =	vpop (erf);
	v5 =	vadd.f32 v5, v5;
	(erf) = vpow2.f32 v1;
	v4 =	vmul.f32 $1.442695020e+00, v4  }
0xda: {  	v11 =	vld [tilespmem:s22+$0xFFFFFFD0];
	[tilespmem:s20+$0x30] =	vst v10;
	v6 =	vadd.f32 v6, v6;
	(erf) = vpow2.f32 v2;
	v1 =	vpop (erf);
	v7 =	vadd.f32 v7, v7  }
0xdb: {  	v10 =	vld [tilespmem:s22+$0xFFFFFFE0];
	v5 =	vmul.f32 $1.442695020e+00, v5;
	(erf) = vpow2.f32 v3;
	[tilespmem:s20+$0xFFFFFFD0] =	vst v1;
	v1 =	vpop (erf)  }
0xdc: {  	v12 =	vld [tilespmem:s22+$0xFFFFFFF0];
	v3 =	vadd.f32 v8, v8;
	v6 =	vmul.f32 $1.442695020e+00, v6;
	(erf) = vpow2.f32 v4;
	[tilespmem:s20+$0xFFFFFFE0] =	vst v1;
	v1 =	vpop (erf)  }
0xdd: {  	v2 =	vld [tilespmem:s22+$0x0];
	v4 =	vmul.f32 $1.442695020e+00, v7;
	(erf) = vpow2.f32 v5;
	[tilespmem:s20+$0xFFFFFFF0] =	vst v1;
	v1 =	vpop (erf)  }
0xde: {  	v5 =	vadd.f32 v9, v9;
	v8 =	vmul.f32 $1.442695020e+00, v3;
	(erf) = vpow2.f32 v6;
	[tilespmem:s20+$0x0] =	vst v1;
	v7 =	vpop (erf);
	v1 =	vld [tilespmem:s22+$0x10]  }
0xdf: {  	v9 =	vadd.f32 v11, v11;
	v3 =	vld [tilespmem:s22+$0x20];
	(erf) = vpow2.f32 v4;
	[tilespmem:s20+$0x10] =	vst v7;
	v11 =	vpop (erf)  }
0xe0: {  	v6 =	vmul.f32 $1.442695020e+00, v5;
	v4 =	vld [tilespmem:s22+$0xFFFFFFC0];
	v7 =	vadd.f32 v10, v10;
	[tilespmem:s20+$0x20] =	vst v11;
	v10 =	vpop (erf);
	(erf) = vpow2.f32 v8  }
0xe1: {  	s21 =	simm.s32 $0x10;
	v5 =	vmul.f32 $1.442695020e+00, v9;
	s22 =	simm.s32 $0x1C0;
	v8 =	vadd.f32 v12, v12;
	[tilespmem:s20+$0xFFFFFFC0] =	vst v10  }
.LBB2_8:
0xe2: {  	v9 =	vld [tilespmem:s22+$0x30];
	s21 =	sadd.s32 $0x8, s21;
	v7 =	vmul.f32 $1.442695020e+00, v7;
	v12 =	vadd.f32 v2, v2;
	(erf) = vpow2.f32 v6;
	v6 =	vpop (erf);
	s20 =	sadd.s32 $0x80, s20  }
0xe3: {  	v10 =	vld [tilespmem:s22+$0xFFFFFFD0];
	p1 =	slt.u32 s21, $0x408;
	v8 =	vmul.f32 $1.442695020e+00, v8;
	v13 =	vadd.f32 v1, v1;
	(erf) = vpow2.f32 v5;
	[tilespmem:s20+$0x30] =	vst v6;
	v5 =	vpop (erf)  }
0xe4: {  	v6 =	vld [tilespmem:s22+$0xFFFFFFE0];
	v11 =	vmul.f32 $1.442695020e+00, v12;
	v14 =	vadd.f32 v3, v3;
	(erf) = vpow2.f32 v7;
	[tilespmem:s20+$0xFFFFFFD0] =	vst v5;
	v2 =	vpop (erf)  }
0xe5: {  	v12 =	vld [tilespmem:s22+$0xFFFFFFF0];
	v15 =	vadd.f32 v4, v4;
	v5 =	vmul.f32 $1.442695020e+00, v13;
	(erf) = vpow2.f32 v8;
	[tilespmem:s20+$0xFFFFFFE0] =	vst v2;
	v1 =	vpop (erf)  }
.Ltmp5:
0xe6: {  	v2 =	vld [tilespmem:s22+$0x0];
	v7 =	vmul.f32 $1.442695020e+00, v14;
	(erf) = vpow2.f32 v11;
	[tilespmem:s20+$0xFFFFFFF0] =	vst v1;
	v3 =	vpop (erf);
	(pc) =	sbr.rel @p1 .LBB2_8-.Ltmp5, $4  }
0xe7: {  	v1 =	vld [tilespmem:s22+$0x10];
	v8 =	vadd.f32 v9, v9;
	v11 =	vmul.f32 $1.442695020e+00, v15;
	(erf) = vpow2.f32 v5;
	[tilespmem:s20+$0x0] =	vst v3;
	v4 =	vpop (erf)  }
0xe8: {  	v5 =	vadd.f32 v10, v10;
	v3 =	vld [tilespmem:s22+$0x20];
	(erf) = vpow2.f32 v7;
	[tilespmem:s20+$0x10] =	vst v4;
	v10 =	vpop (erf)  }
0xe9: {  	v4 =	vld [tilespmem:s22+$0xFFFFFFC0];
	v7 =	vadd.f32 v6, v6;
	v6 =	vmul.f32 $1.442695020e+00, v8;
	(erf) = vpow2.f32 v11;
	[tilespmem:s20+$0x20] =	vst v10;
	v9 =	vpop (erf)  }
0xea: {  	s22 =	sadd.s32 $0x80, s22;
	v5 =	vmul.f32 $1.442695020e+00, v5;
	v8 =	vadd.f32 v12, v12;
	[tilespmem:s20+$0xFFFFFFC0] =	vst v9  }
0xeb: {  	v7 =	vmul.f32 $1.442695020e+00, v7;
	v2 =	vadd.f32 v2, v2  }
0xec: {  	(erf) = vpow2.f32 v6;
	v8 =	vmul.f32 $1.442695020e+00, v8;
	v1 =	vadd.f32 v1, v1  }
0xed: {  	v60 =	vpop (erf);
	s20 =	sadd.s32 $0x80, s20;
	(erf) = vpow2.f32 v5;
	v2 =	vmul.f32 $1.442695020e+00, v2  }
0xee: {  	[tilespmem:s20+$0x30] =	vst v60;
	v61 =	vpop (erf);
	v3 =	vadd.f32 v3, v3;
	(erf) = vpow2.f32 v7;
	v1 =	vmul.f32 $1.442695020e+00, v1  }
0xef: {  	[tilespmem:s20+$0xFFFFFFD0] =	vst v61;
	v62 =	vpop (erf);
	v4 =	vadd.f32 v4, v4;
	(erf) = vpow2.f32 v8  }
0xf0: {  	[tilespmem:s20+$0xFFFFFFE0] =	vst v62;
	v63 =	vpop (erf);
	v3 =	vmul.f32 $1.442695020e+00, v3;
	(erf) = vpow2.f32 v2  }
0xf1: {  	[tilespmem:s20+$0xFFFFFFF0] =	vst v63;
	v4 =	vmul.f32 $1.442695020e+00, v4;
	v2 =	vpop (erf);
	(erf) = vpow2.f32 v1  }
0xf2: {  	[tilespmem:s20+$0x0] =	vst v2;
	v1 =	vpop (erf);
	(erf) = vpow2.f32 v3  }
0xf3: {  	[tilespmem:s20+$0x10] =	vst v1;
	v1 =	vpop (erf);
	(erf) = vpow2.f32 v4  }
0xf4: {  	[tilespmem:s20+$0x20] =	vst v1;
	v1 =	vpop (erf)  }
0xf5: {  	[tilespmem:s20+$0xFFFFFFC0] =	vst v1;
	v1 =	vpop (erf);
	s20 =	sadd.s32 $0x80, s20  }
0xf6: {  	[tilespmem:s20+$0x30] =	vst v1;
	v1 =	vpop (erf)  }
0xf7: {  	[tilespmem:s20+$0xFFFFFFD0] =	vst v1;
	v1 =	vpop (erf)  }
0xf8: {  	[tilespmem:s20+$0xFFFFFFE0] =	vst v1;
	v1 =	vpop (erf)  }
0xf9: {  	[tilespmem:s20+$0xFFFFFFF0] =	vst v1;
	v1 =	vpop (erf)  }
0xfa: {  	[tilespmem:s20+$0x0] =	vst v1;
	v1 =	vpop (erf)  }
0xfb: {  	[tilespmem:s20+$0x10] =	vst v1;
	v1 =	vpop (erf)  }
0xfc: {  	[tilespmem:s20+$0x20] =	vst v1;
	v1 =	vpop (erf)  }
0xfd: {  	[tilespmem:s20+$0xFFFFFFC0] =	vst v1  }
0xfe: {  	[hbm4b:s16+s25] =	stream.strided.scatter [tilespmem:s30], [sflag:$0x3], $0x4100, s26, s25, $0x38;
	[tilespmem:$0x14500] =	vst v63  }
0xff: {  	_ = 	snop  }
0x100: {  	[hbm4b:s17+s25] =	stream.strided.scatter [tilespmem:s30], [sflag:$0x3], $0x4100, s26, s25, $0x38;
	[tilespmem:$0x14500] =	vst v63  }
0x101: {  	_ =	swait.ge [sflag:s0], $0x4100  }
0x102: {  	[sflag:s0] =	ssyncset.done $0x0  }
0x103: {  	[sflag:s0] =	ssyncadd.s32 $0xFFFFBF00  }
0x104: {  	_ =	swait.ge [sflag:s0], $0x4100  }
0x105: {  	[sflag:s0] =	ssyncset.done $0x0  }
0x106: {  	[sflag:s0] =	ssyncadd.s32 $0xFFFFBF00  }
0x107: {  	_ =	swait.ge [sflag:s24], $0x4100  }
0x108: {  	[sflag:s24] =	ssyncset.done $0x0  }
0x109: {  	[sflag:s24] =	ssyncadd.s32 $0xFFFFBF00  }
0x10a: {  	_ =	swait.ge [sflag:s24], $0x4100  }
0x10b: {  	[sflag:s24] =	ssyncset.done $0x0  }
0x10c: {  	[sflag:s24] =	ssyncadd.s32 $0xFFFFBF00  }
0x10d: {  	_ =	swait.ge [sflag:s18], $0x4100  }
0x10e: {  	[sflag:s18] =	ssyncset.done $0x0  }
0x10f: {  	[sflag:s18] =	ssyncadd.s32 $0xFFFFBF00  }
0x110: {  	_ =	swait.ge [sflag:s18], $0x4100  }
0x111: {  	[sflag:s18] =	ssyncset.done $0x0  }
0x112: {  	[sflag:s18] =	ssyncadd.s32 $0xFFFFBF00  }
0x113: {  	_ =	swait.ge [sflag:s18], $0x4100  }
0x114: {  	[sflag:s18] =	ssyncset.done $0x0  }
0x115: {  	[sflag:s18] =	ssyncadd.s32 $0xFFFFBF00  }
0x116: {  	_ =	swait.ge [sflag:s18], $0x4100  }
0x117: {  	[sflag:s18] =	ssyncset.done $0x0  }
0x118: {  	[sflag:s18] =	ssyncadd.s32 $0xFFFFBF00  }
0x119: {  	_ =	swait.ge [sflag:s18], $0x4100  }
.Ltmp6:
0x11a: {  	[sflag:s18] =	ssyncset.done $0x0;
	(pc) =	sbr.rel @p0 .LBB2_11-.Ltmp6, $4  }
0x11b: {  	[sflag:s18] =	ssyncadd.s32 $0xFFFFBF00  }
0x11c: {  	_ =	swait.ge [sflag:s18], $0x4100  }
0x11d: {  	[sflag:s18] =	ssyncset.done $0x0  }
0x11e: {  	[sflag:s18] =	ssyncadd.s32 $0xFFFFBF00  }
0x11f: {  	s20 =	rddreg [dreg:$0x3]  }
0x120: {  	[tilespmem:s2], [sflag:$0x1] =	stream.linear.gather [hbm4b:s20+s2], $0x80, $0x38;
	[tilespmem:$0x14500] =	vst v63  }
0x121: {  	_ =	swait.ge [sflag:s29], $0x80  }
0x122: {  	[sflag:s29] =	ssyncset.done $0x0  }
0x123: {  	[sflag:s29] =	ssyncadd.s32 $0xFFFFFF80  }
0x124: {  	v1 =	vld [tilespmem:$0x0]  }
0x125: {  	v2 =	vld [tilespmem:$0x10]  }
0x126: {  	v3 =	vld [tilespmem:$0x20]  }
0x127: {  	v4 =	vld [tilespmem:$0x30]  }
0x128: {  	v5 =	vld [tilespmem:$0x40]  }
0x129: {  	v6 =	vld [tilespmem:$0x50];
	v1 =	vadd.f32 v1, v1  }
0x12a: {  	v7 =	vld [tilespmem:$0x60];
	v2 =	vadd.f32 v2, v2  }
0x12b: {  	v8 =	vld [tilespmem:$0x70];
	v3 =	vadd.f32 v3, v3;
	v1 =	vmul.f32 $1.442695020e+00, v1  }
0x12c: {  	v4 =	vadd.f32 v4, v4;
	v2 =	vmul.f32 $1.442695020e+00, v2  }
0x12d: {  	(erf) = vpow2.f32 v1;
	v1 =	vmul.f32 $1.442695020e+00, v3;
	v3 =	vadd.f32 v5, v5  }
0x12e: {  	v62 =	vadd.f32 v6, v6;
	(erf) = vpow2.f32 v2;
	v2 =	vmul.f32 $1.442695020e+00, v4  }
0x12f: {  	(erf) = vpow2.f32 v1;
	v1 =	vmul.f32 $1.442695020e+00, v3;
	v3 =	vadd.f32 v7, v7  }
0x130: {  	v63 =	vadd.f32 v8, v8;
	(erf) = vpow2.f32 v2;
	v2 =	vmul.f32 $1.442695020e+00, v62  }
0x131: {  	(erf) = vpow2.f32 v1;
	v1 =	vmul.f32 $1.442695020e+00, v3  }
0x132: {  	(erf) = vpow2.f32 v2;
	v2 =	vmul.f32 $1.442695020e+00, v63  }
0x133: {  	(erf) = vpow2.f32 v1  }
0x134: {  	(erf) = vpow2.f32 v2;
	_ =	sdelay $0x1  }
0x135: {  	v1 =	vpop (erf)  }
0x136: {  	v2 =	vpop (erf);
	[tilespmem:$0x8200] =	vst v1  }
0x137: {  	v1 =	vpop (erf);
	[tilespmem:$0x8210] =	vst v2  }
0x138: {  	v2 =	vpop (erf);
	[tilespmem:$0x8220] =	vst v1  }
0x139: {  	v1 =	vpop (erf);
	[tilespmem:$0x8230] =	vst v2  }
0x13a: {  	v2 =	vpop (erf);
	[tilespmem:$0x8240] =	vst v1  }
0x13b: {  	v1 =	vpop (erf);
	[tilespmem:$0x8250] =	vst v2  }
0x13c: {  	[tilespmem:$0x8260] =	vst v1;
	v1 =	vpop (erf)  }
0x13d: {  	s21 =	rddreg [dreg:$0x4];
	[tilespmem:$0x8270] =	vst v1  }
0x13e: {  	[hbm4b:s21+s2] =	stream.linear.scatter [tilespmem:s28], [sflag:$0x5], $0x80, $0x38;
	[tilespmem:$0x14500] =	vst v63  }
0x13f: {  	s22 =	rddreg [dreg:$0x5]  }
0x140: {  	[hbm4b:s22+s2] =	stream.linear.scatter [tilespmem:s28], [sflag:$0x5], $0x80, $0x38;
	[tilespmem:$0x14500] =	vst v63  }
0x141: {  	_ =	swait.ge [sflag:s18], $0x80  }
0x142: {  	[sflag:s18] =	ssyncset.done $0x0  }
0x143: {  	[sflag:s18] =	ssyncadd.s32 $0xFFFFFF80  }
0x144: {  	_ =	swait.ge [sflag:s18], $0x80  }
0x145: {  	[sflag:s18] =	ssyncset.done $0x0  }
0x146: {  	s21 =	rddreg [dreg:$0x6];
	[sflag:s18] =	ssyncadd.s32 $0xFFFFFF80  }
0x147: {  	[hbm4b:s21+s2] =	stream.linear.scatter [tilespmem:s30], [sflag:$0x3], $0x80, $0x38;
	[tilespmem:$0x14500] =	vst v63  }
0x148: {  	s22 =	rddreg [dreg:$0x7]  }
0x149: {  	[hbm4b:s22+s2] =	stream.linear.scatter [tilespmem:s30], [sflag:$0x3], $0x80, $0x38;
	[tilespmem:$0x14500] =	vst v63  }
0x14a: {  	_ =	swait.ge [sflag:s0], $0x80  }
.Ltmp7:
0x14b: {  	[sflag:s0] =	ssyncset.done $0x0;
	(pc) =	sbr.rel .LBB2_11-.Ltmp7, $4  }
0x14c: {  	[sflag:s0] =	ssyncadd.s32 $0xFFFFFF80  }
0x14d: {  	_ =	swait.ge [sflag:s0], $0x80  }
0x14e: {  	[sflag:s0] =	ssyncset.done $0x0  }
0x14f: {  	[sflag:s0] =	ssyncadd.s32 $0xFFFFFF80  }
.LBB2_12:
0x150: {  	_ =	sfence.sel $0x180000  }
0x151: {  	[bflag:$0x0] =	sbarrier.arrive $0xFFFF  }
0x152: {  	_ =	strace $0x90000047  }
0x153: {  	s0 =	stileid.u32;
	[bflag:$0x2] =	sbarrier.arrive $0xFFFF  }
0x154: {  	p0 =	sne.s32 s0, $0x0;
	s0 =	rddreg [dreg:$0x2]  }
0x155: {  	s0 =	sadd.s32 @!p0 $0x100000, s0  }
0x156: {  	[sflag:s0] =	ssyncadd.tile.s32 @!p0 $0x1;
	_ =	shalt  }
.Lfunc_end2:
_tile_overlayer_lowered:
.L_overlay_start_2:
0x157: {  	(tag) =	ssettag $0x2  }
0x158: {  	s0 =	rddreg [dreg:$0x0];
	s2 =	stileid.u32  }
0x159: {  	s1 =	rddreg [dreg:$0x1];
	p0 =	sne.s32 s2, $0x0  }
0x15a: {  	s3 =	rddreg [dreg:$0x2];
	[bflag:$0x3] =	sbarrier.arrive $0xFFFF;
	s2 =	simm.s32 @!p0 $0x1C06  }
0x15b: {  	[timem:s3], [sflag:s2] =	dma.local @!p0 [hbm:s0], s1  }
0x15c: {  	s0 =	simm.s32 @!p0 $0x6  }
0x15d: {  	_ =	swait.ge @!p0 [sflag:s0], s1  }
0x15e: {  	s1 =	ssub.s32 @!p0 $0x0, s1;
	[sflag:s0] =	ssyncset.done @!p0 $0x0  }
0x15f: {  	[sflag:s0] =	ssyncadd.s32 @!p0 s1  }
0x160: {  	[bflag:$0x3] =	sbarrier.arrive $0xFFFF  }
0x161: {  	_ =	shalt  }

</sc_bundles>
